<compile_context>
chip_gen: v7x
topology: tpu7x:2x2x1
jax: 0.10.2.dev20260603
libtpu: 0.0.44.dev20260713+nightly
codegen_flags: <defaults>
</compile_context>

<pallas_src>
import functools

import jax
import jax.numpy as jnp
from jax import lax
from jax.experimental import pallas as pl
from jax.experimental.pallas import tpu as pltpu
from jax.experimental.pallas import tpu_sc as plsc

_N, _D, _E = 10000, 128, 320000
_CHUNK = 64
_NBUF = 4
_ROWS_PER_TILE = 640


def _sc_scatter_add(x, src, dst):
    info = plsc.get_sparse_core_info()
    nc, ns = info.num_cores, info.num_subcores
    nw = nc * ns
    n_chunks = _E // _CHUNK
    assert _E % _CHUNK == 0
    n_pad = _ROWS_PER_TILE * ns
    zp = _ROWS_PER_TILE // _CHUNK
    assert _ROWS_PER_TILE % _CHUNK == 0
    tail_rows = _N - (ns - 1) * _ROWS_PER_TILE
    assert tail_rows > 0 and (ns - 1) * _ROWS_PER_TILE % 8 == 0

    mesh = plsc.VectorSubcoreMesh(core_axis_name="c", subcore_axis_name="s")

    @functools.partial(
        pl.kernel,
        out_type=jax.ShapeDtypeStruct((nc, _N, _D), jnp.float32),
        mesh=mesh,
        scratch_types=[
            pltpu.MemorySpace.VMEM_SHARED((n_pad, _D), jnp.float32),
            [pltpu.MemorySpace.VMEM((_CHUNK,), jnp.int32)] * _NBUF,
            [pltpu.MemorySpace.VMEM((_CHUNK,), jnp.int32)] * _NBUF,
            [pltpu.MemorySpace.VMEM((_CHUNK, _D), jnp.float32)] * _NBUF,
            [pltpu.SemaphoreType.DMA] * _NBUF,
            [pltpu.SemaphoreType.DMA] * _NBUF,
            [pltpu.SemaphoreType.DMA] * _NBUF,
            [pltpu.SemaphoreType.DMA] * _NBUF,
        ],
    )
    def k(x_hbm, src_hbm, dst_hbm, out_hbm, agg_sh, src_v, dst_v, rows,
          sem_is, sem_id, sem_g, sem_s):
        c = lax.axis_index("c")
        s = lax.axis_index("s")
        wid = s * nc + c

        def zrow(i, _):
            def zlane(j, _):
                rows[0][i, pl.ds(j * 16, 16)] = jnp.zeros((16,), jnp.float32)
                return 0

            lax.fori_loop(0, _D // 16, zlane, 0)
            return 0

        lax.fori_loop(0, _CHUNK, zrow, 0)

        for p in range(zp):
            pltpu.sync_copy(
                rows[0],
                agg_sh.at[pl.ds(s * _ROWS_PER_TILE + p * _CHUNK, _CHUNK)],
            )

        plsc.subcore_barrier()

        base_count = n_chunks // nw
        extra = n_chunks % nw
        assert base_count % _NBUF == 0

        def body(i, _):
            idx_d = []
            for b in range(_NBUF):
                base = ((i * _NBUF + b) * nw + wid) * _CHUNK
                idx_d.append((
                    pltpu.async_copy(src_hbm.at[pl.ds(base, _CHUNK)],
                                     src_v[b], sem_is[b]),
                    pltpu.async_copy(dst_hbm.at[pl.ds(base, _CHUNK)],
                                     dst_v[b], sem_id[b]),
                ))
            g_d = []
            for b in range(_NBUF):
                idx_d[b][0].wait()
                g_d.append(pltpu.async_copy(x_hbm.at[src_v[b]], rows[b],
                                            sem_g[b]))
            s_d = []
            for b in range(_NBUF):
                g_d[b].wait()
                idx_d[b][1].wait()
                s_d.append(pltpu.async_copy(rows[b], agg_sh.at[dst_v[b]],
                                            sem_s[b], add=True))
            for b in range(_NBUF):
                s_d[b].wait()
            return 0

        lax.fori_loop(0, base_count // _NBUF, body, 0)

        @pl.when(wid < extra)
        def _():
            base = (base_count * nw + wid) * _CHUNK
            pltpu.sync_copy(src_hbm.at[pl.ds(base, _CHUNK)], src_v[0])
            pltpu.sync_copy(dst_hbm.at[pl.ds(base, _CHUNK)], dst_v[0])
            pltpu.async_copy(x_hbm.at[src_v[0]], rows[0], sem_g[0]).wait()
            pltpu.sync_copy(rows[0], agg_sh.at[dst_v[0]], add=True)

        plsc.subcore_barrier()

        @pl.when(s < ns - 1)
        def _():
            pltpu.sync_copy(
                agg_sh.at[pl.ds(s * _ROWS_PER_TILE, _ROWS_PER_TILE)],
                out_hbm.at[c, pl.ds(s * _ROWS_PER_TILE, _ROWS_PER_TILE)],
            )

        @pl.when(s == ns - 1)
        def _():
            pltpu.sync_copy(
                agg_sh.at[pl.ds((ns - 1) * _ROWS_PER_TILE, tail_rows)],
                out_hbm.at[c, pl.ds((ns - 1) * _ROWS_PER_TILE, tail_rows)],
            )

    return k(x, src, dst)


def _mlp_body(x_ref, p_ref, w1_ref, b1_ref, w2_ref, b2_ref, wg_ref, bg_ref,
              wa_ref, ba_ref, h_ref, a_ref):
    dn = (((1,), (1,)), ((), ()))
    xa = x_ref[...] + p_ref[0] + p_ref[1]
    h1 = lax.dot_general(xa, w1_ref[...], dn, preferred_element_type=jnp.float32)
    h1 = jnp.maximum(h1 + b1_ref[...], 0.0)
    h = lax.dot_general(h1, w2_ref[...], dn, preferred_element_type=jnp.float32)
    h = h + b2_ref[...]
    h_ref[...] = h
    ga = lax.dot_general(h, wg_ref[...], dn, preferred_element_type=jnp.float32)
    ga = jnp.tanh(ga + bg_ref[...])
    alpha = lax.dot_general(wa_ref[...], ga, dn, preferred_element_type=jnp.float32)
    e = jnp.exp(alpha - jnp.max(alpha))
    a_ref[...] = e / jnp.sum(e)


def kernel(x, edge_index, W1, b1, W2, b2, Wg, bg, Wa, ba):
    src = edge_index[0]
    dst = edge_index[1]
    parts = _sc_scatter_add(x, src, dst)
    h, a = pl.pallas_call(
        _mlp_body,
        out_shape=[
            jax.ShapeDtypeStruct((_N, _D), jnp.float32),
            jax.ShapeDtypeStruct((1, _N), jnp.float32),
        ],
    )(x, parts, W1, b1.reshape(1, -1), W2, b2.reshape(1, -1),
      Wg, bg.reshape(1, -1), Wa, ba.reshape(1, 1))
    return h, a[0]

# --- scband reference (transcript-rebuilt; emitter-appended) ---
"""Pipeline reference for scband-gin-gated-attn-51917564674533 (READ-ONLY COPY).

The authoritative reference and input builder live on the scoring server;
editing this copy changes nothing except your own understanding.
"""

import jax, jax.numpy as jnp
import numpy as np

N, D, H, E = 10000, 128, 128, 320000

def setup_inputs(seed: int = 0) -> dict:
    key = jax.random.key(seed)
    ks = jax.random.split(key, 12)
    x = jax.random.normal(ks[0], (N, D), dtype=jnp.float32)
    edge_index = jax.random.randint(ks[1], (2, E), 0, N)
    s = 0.05
    W1 = jax.random.normal(ks[2], (H, D), dtype=jnp.float32) * s
    b1 = jax.random.normal(ks[3], (H,), dtype=jnp.float32) * s
    W2 = jax.random.normal(ks[4], (H, H), dtype=jnp.float32) * s
    b2 = jax.random.normal(ks[5], (H,), dtype=jnp.float32) * s
    Wg = jax.random.normal(ks[6], (H, H), dtype=jnp.float32) * s
    bg = jax.random.normal(ks[7], (H,), dtype=jnp.float32) * s
    Wa = jax.random.normal(ks[8], (1, H), dtype=jnp.float32) * s
    ba = jax.random.normal(ks[9], (1,), dtype=jnp.float32) * s
    return {"x": x, "edge_index": edge_index, "W1": W1, "b1": b1, "W2": W2, "b2": b2, "Wg": Wg, "bg": bg, "Wa": Wa, "ba": ba}

def reference(x, edge_index, W1, b1, W2, b2, Wg, bg, Wa, ba):
    src = edge_index[0]
    dst = edge_index[1]
    # GINConv with default eps=0: h = nn((1+eps)*x + sum_{j in N(i)} x_j)
    agg = jnp.zeros_like(x).at[dst].add(x[src])
    h = x + agg
    h = jnp.maximum(h @ W1.T + b1, 0.0)
    h = h @ W2.T + b2
    # gated attention pooling scores
    A = jnp.tanh(h @ Wg.T + bg)
    alpha = (A @ Wa.T + ba)[:, 0]
    att_scores = jax.nn.softmax(alpha, axis=0)
    return (h, att_scores)

if __name__ == "__main__":
    import jax
    _d = setup_inputs()
    print(jax.jit(kernel)(*tuple(_d.values())))

</pallas_src>

<mosaic_0001>
#map = affine_map<(d0, d1) -> (0, 0)>
#map1 = affine_map<(d0, d1) -> (0)>
#map2 = affine_map<(d0, d1) -> (0, 0, 0)>
module attributes {stable_mosaic.version = 14 : i64} {
  func.func @k(%arg0: i32, %arg1: i32, %arg2: memref<10000x128xf32, #tpu.memory_space<hbm>>, %arg3: memref<320000xi32, #tpu.memory_space<hbm>>, %arg4: memref<320000xi32, #tpu.memory_space<hbm>>, %arg5: memref<2x10000x128xf32, #tpu.memory_space<hbm>>, %arg6: memref<10240x128xf32, #tpu.memory_space<vmem_shared>>, %arg7: memref<64xi32, #tpu.memory_space<vmem>>, %arg8: memref<64xi32, #tpu.memory_space<vmem>>, %arg9: memref<64xi32, #tpu.memory_space<vmem>>, %arg10: memref<64xi32, #tpu.memory_space<vmem>>, %arg11: memref<64xi32, #tpu.memory_space<vmem>>, %arg12: memref<64xi32, #tpu.memory_space<vmem>>, %arg13: memref<64xi32, #tpu.memory_space<vmem>>, %arg14: memref<64xi32, #tpu.memory_space<vmem>>, %arg15: memref<64x128xf32, #tpu.memory_space<vmem>>, %arg16: memref<64x128xf32, #tpu.memory_space<vmem>>, %arg17: memref<64x128xf32, #tpu.memory_space<vmem>>, %arg18: memref<64x128xf32, #tpu.memory_space<vmem>>, %arg19: memref<!tpu.dma_semaphore, #tpu.memory_space<semaphore_mem>>, %arg20: memref<!tpu.dma_semaphore, #tpu.memory_space<semaphore_mem>>, %arg21: memref<!tpu.dma_semaphore, #tpu.memory_space<semaphore_mem>>, %arg22: memref<!tpu.dma_semaphore, #tpu.memory_space<semaphore_mem>>, %arg23: memref<!tpu.dma_semaphore, #tpu.memory_space<semaphore_mem>>, %arg24: memref<!tpu.dma_semaphore, #tpu.memory_space<semaphore_mem>>, %arg25: memref<!tpu.dma_semaphore, #tpu.memory_space<semaphore_mem>>, %arg26: memref<!tpu.dma_semaphore, #tpu.memory_space<semaphore_mem>>, %arg27: memref<!tpu.dma_semaphore, #tpu.memory_space<semaphore_mem>>, %arg28: memref<!tpu.dma_semaphore, #tpu.memory_space<semaphore_mem>>, %arg29: memref<!tpu.dma_semaphore, #tpu.memory_space<semaphore_mem>>, %arg30: memref<!tpu.dma_semaphore, #tpu.memory_space<semaphore_mem>>, %arg31: memref<!tpu.dma_semaphore, #tpu.memory_space<semaphore_mem>>, %arg32: memref<!tpu.dma_semaphore, #tpu.memory_space<semaphore_mem>>, %arg33: memref<!tpu.dma_semaphore, #tpu.memory_space<semaphore_mem>>, %arg34: memref<!tpu.dma_semaphore, #tpu.memory_space<semaphore_mem>>) attributes {dimension_semantics = [#tpu.dimension_semantics<core_parallel>, #tpu.dimension_semantics<subcore_parallel>], iteration_bounds = array<i64: 2, 16>, scalar_prefetch = 0 : i64, scratch_operands = 29 : i64, tpu.core_type = #tpu.core_type<sc_vector_subcore>, window_params = [{transform_indices = #map}, {transform_indices = #map1}, {transform_indices = #map1}, {transform_indices = #map2}]} {
    %mul3A = arith.constant 2 : i32
    %mul3A_0 = arith.muli %arg1, %mul3A : i32
    %add3A = arith.addi %mul3A_0, %arg0 : i32
    %scan3A = arith.constant 0 : i32
    %scan3A_1 = arith.constant 0 : i32
    %scan3A_2 = arith.constant 64 : i32
    %scan3A_3 = arith.addi %scan3A_1, %scan3A_2 : i32
    %scan3A_4 = arith.constant 1 : i32
    %scan3A_5 = scf.for %scan3A_66 = %scan3A_1 to %scan3A_3 step %scan3A_4 iter_args(%scan3A_67 = %scan3A) -> (i32)  : i32 {
      %scan3A_68 = arith.constant 0 : i32
      %scan3A_69 = arith.constant 0 : i32
      %scan3A_70 = arith.constant 8 : i32
      %scan3A_71 = arith.addi %scan3A_69, %scan3A_70 : i32
      %scan3A_72 = arith.constant 1 : i32
      %scan3A_73 = scf.for %scan3A_76 = %scan3A_69 to %scan3A_71 step %scan3A_72 iter_args(%scan3A_77 = %scan3A_68) -> (i32)  : i32 {
        %broadcast_in_dim3A = arith.constant 0.000000e+00 : f32
        %broadcast_in_dim3A_78 = vector.broadcast %broadcast_in_dim3A : f32 to vector<16xf32>
        %mul3A_79 = arith.constant 16 : i32
        %mul3A_80 = arith.muli %scan3A_76, %mul3A_79 : i32
        %swap3A = arith.index_cast %scan3A_66 : i32 to index
        %swap3A_81 = arith.index_cast %mul3A_80 : i32 to index
        %swap3A_82 = tpu.vector_load %arg15[%swap3A, %swap3A_81] {strides = array<i32>} : memref<64x128xf32, #tpu.memory_space<vmem>>, vector<1x16xf32>,
        %swap3A_83 = vector.shape_cast %swap3A_82 : vector<1x16xf32> to vector<16xf32>
        %swap3A_84 = vector.shape_cast %broadcast_in_dim3A_78 : vector<16xf32> to vector<1x16xf32>
        tpu.vector_store %arg15[%swap3A, %swap3A_81], %swap3A_84 {strides = array<i32>} : memref<64x128xf32, #tpu.memory_space<vmem>>, vector<1x16xf32>,
        %scan3A_85 = arith.constant 0 : i32
        scf.yield %scan3A_85 : i32
      }
      %scan3A_74 = arith.constant 8 : i32
      %scan3A_75 = arith.constant 0 : i32
      scf.yield %scan3A_75 : i32
    }
    %scan3A_6 = arith.constant 64 : i32
    %mul3A_7 = arith.constant 640 : i32
    %mul3A_8 = arith.muli %arg1, %mul3A_7 : i32
    %add3A_9 = arith.constant 0 : i32
    %add3A_10 = arith.addi %mul3A_8, %add3A_9 : i32
    "tpu.region"() ({
      %run_scoped3A = tpu.sem_alloc : memref<!tpu.dma_semaphore, #tpu.memory_space<semaphore_mem>>
      %dma_start3A = arith.constant 0 : i32
      %dma_start3A_66 = tpu.memref_slice %arg6[%add3A_10, %dma_start3A] : memref<10240x128xf32, #tpu.memory_space<vmem_shared>> -> memref<64x128xf32, #tpu.memory_space<vmem_shared>>
      %dma_start3A_67 = arith.constant 0 : i32
      %dma_start3A_68 = tpu.memref_slice %arg6[%add3A_10, %dma_start3A_67] : memref<10240x128xf32, #tpu.memory_space<vmem_shared>> -> memref<64x128xf32, #tpu.memory_space<vmem_shared>>
      tpu.enqueue_dma source(%arg15 : memref<64x128xf32, #tpu.memory_space<vmem>>) target(%dma_start3A_68 : memref<64x128xf32, #tpu.memory_space<vmem_shared>>) target_semaphore(%run_scoped3A : memref<!tpu.dma_semaphore, #tpu.memory_space<semaphore_mem>>)
      %dma_wait3A = arith.constant 0 : i32
      %dma_wait3A_69 = tpu.memref_slice %arg6[%add3A_10, %dma_wait3A] : memref<10240x128xf32, #tpu.memory_space<vmem_shared>> -> memref<64x128xf32, #tpu.memory_space<vmem_shared>>
      %dma_wait3A_70 = arith.constant 0 : i32
      %dma_wait3A_71 = tpu.memref_slice %arg6[%add3A_10, %dma_wait3A_70] : memref<10240x128xf32, #tpu.memory_space<vmem_shared>> -> memref<64x128xf32, #tpu.memory_space<vmem_shared>>
      tpu.wait_dma2 semaphore(%run_scoped3A : memref<!tpu.dma_semaphore, #tpu.memory_space<semaphore_mem>>) src(%arg15 : memref<64x128xf32, #tpu.memory_space<vmem>>) dst(%dma_wait3A_71 : memref<64x128xf32, #tpu.memory_space<vmem_shared>>)
      tpu.yield
    }) : () -> ()
    %mul3A_11 = arith.constant 640 : i32
    %mul3A_12 = arith.muli %arg1, %mul3A_11 : i32
    %add3A_13 = arith.constant 64 : i32
    %add3A_14 = arith.addi %mul3A_12, %add3A_13 : i32
    "tpu.region"() ({
      %run_scoped3A = tpu.sem_alloc : memref<!tpu.dma_semaphore, #tpu.memory_space<semaphore_mem>>
      %dma_start3A = arith.constant 0 : i32
      %dma_start3A_66 = tpu.memref_slice %arg6[%add3A_14, %dma_start3A] : memref<10240x128xf32, #tpu.memory_space<vmem_shared>> -> memref<64x128xf32, #tpu.memory_space<vmem_shared>>
      %dma_start3A_67 = arith.constant 0 : i32
      %dma_start3A_68 = tpu.memref_slice %arg6[%add3A_14, %dma_start3A_67] : memref<10240x128xf32, #tpu.memory_space<vmem_shared>> -> memref<64x128xf32, #tpu.memory_space<vmem_shared>>
      tpu.enqueue_dma source(%arg15 : memref<64x128xf32, #tpu.memory_space<vmem>>) target(%dma_start3A_68 : memref<64x128xf32, #tpu.memory_space<vmem_shared>>) target_semaphore(%run_scoped3A : memref<!tpu.dma_semaphore, #tpu.memory_space<semaphore_mem>>)
      %dma_wait3A = arith.constant 0 : i32
      %dma_wait3A_69 = tpu.memref_slice %arg6[%add3A_14, %dma_wait3A] : memref<10240x128xf32, #tpu.memory_space<vmem_shared>> -> memref<64x128xf32, #tpu.memory_space<vmem_shared>>
      %dma_wait3A_70 = arith.constant 0 : i32
      %dma_wait3A_71 = tpu.memref_slice %arg6[%add3A_14, %dma_wait3A_70] : memref<10240x128xf32, #tpu.memory_space<vmem_shared>> -> memref<64x128xf32, #tpu.memory_space<vmem_shared>>
      tpu.wait_dma2 semaphore(%run_scoped3A : memref<!tpu.dma_semaphore, #tpu.memory_space<semaphore_mem>>) src(%arg15 : memref<64x128xf32, #tpu.memory_space<vmem>>) dst(%dma_wait3A_71 : memref<64x128xf32, #tpu.memory_space<vmem_shared>>)
      tpu.yield
    }) : () -> ()
    %mul3A_15 = arith.constant 640 : i32
    %mul3A_16 = arith.muli %arg1, %mul3A_15 : i32
    %add3A_17 = arith.constant 128 : i32
    %add3A_18 = arith.addi %mul3A_16, %add3A_17 : i32
    "tpu.region"() ({
      %run_scoped3A = tpu.sem_alloc : memref<!tpu.dma_semaphore, #tpu.memory_space<semaphore_mem>>
      %dma_start3A = arith.constant 0 : i32
      %dma_start3A_66 = tpu.memref_slice %arg6[%add3A_18, %dma_start3A] : memref<10240x128xf32, #tpu.memory_space<vmem_shared>> -> memref<64x128xf32, #tpu.memory_space<vmem_shared>>
      %dma_start3A_67 = arith.constant 0 : i32
      %dma_start3A_68 = tpu.memref_slice %arg6[%add3A_18, %dma_start3A_67] : memref<10240x128xf32, #tpu.memory_space<vmem_shared>> -> memref<64x128xf32, #tpu.memory_space<vmem_shared>>
      tpu.enqueue_dma source(%arg15 : memref<64x128xf32, #tpu.memory_space<vmem>>) target(%dma_start3A_68 : memref<64x128xf32, #tpu.memory_space<vmem_shared>>) target_semaphore(%run_scoped3A : memref<!tpu.dma_semaphore, #tpu.memory_space<semaphore_mem>>)
      %dma_wait3A = arith.constant 0 : i32
      %dma_wait3A_69 = tpu.memref_slice %arg6[%add3A_18, %dma_wait3A] : memref<10240x128xf32, #tpu.memory_space<vmem_shared>> -> memref<64x128xf32, #tpu.memory_space<vmem_shared>>
      %dma_wait3A_70 = arith.constant 0 : i32
      %dma_wait3A_71 = tpu.memref_slice %arg6[%add3A_18, %dma_wait3A_70] : memref<10240x128xf32, #tpu.memory_space<vmem_shared>> -> memref<64x128xf32, #tpu.memory_space<vmem_shared>>
      tpu.wait_dma2 semaphore(%run_scoped3A : memref<!tpu.dma_semaphore, #tpu.memory_space<semaphore_mem>>) src(%arg15 : memref<64x128xf32, #tpu.memory_space<vmem>>) dst(%dma_wait3A_71 : memref<64x128xf32, #tpu.memory_space<vmem_shared>>)
      tpu.yield
    }) : () -> ()
    %mul3A_19 = arith.constant 640 : i32
    %mul3A_20 = arith.muli %arg1, %mul3A_19 : i32
    %add3A_21 = arith.constant 192 : i32
    %add3A_22 = arith.addi %mul3A_20, %add3A_21 : i32
    "tpu.region"() ({
      %run_scoped3A = tpu.sem_alloc : memref<!tpu.dma_semaphore, #tpu.memory_space<semaphore_mem>>
      %dma_start3A = arith.constant 0 : i32
      %dma_start3A_66 = tpu.memref_slice %arg6[%add3A_22, %dma_start3A] : memref<10240x128xf32, #tpu.memory_space<vmem_shared>> -> memref<64x128xf32, #tpu.memory_space<vmem_shared>>
      %dma_start3A_67 = arith.constant 0 : i32
      %dma_start3A_68 = tpu.memref_slice %arg6[%add3A_22, %dma_start3A_67] : memref<10240x128xf32, #tpu.memory_space<vmem_shared>> -> memref<64x128xf32, #tpu.memory_space<vmem_shared>>
      tpu.enqueue_dma source(%arg15 : memref<64x128xf32, #tpu.memory_space<vmem>>) target(%dma_start3A_68 : memref<64x128xf32, #tpu.memory_space<vmem_shared>>) target_semaphore(%run_scoped3A : memref<!tpu.dma_semaphore, #tpu.memory_space<semaphore_mem>>)
      %dma_wait3A = arith.constant 0 : i32
      %dma_wait3A_69 = tpu.memref_slice %arg6[%add3A_22, %dma_wait3A] : memref<10240x128xf32, #tpu.memory_space<vmem_shared>> -> memref<64x128xf32, #tpu.memory_space<vmem_shared>>
      %dma_wait3A_70 = arith.constant 0 : i32
      %dma_wait3A_71 = tpu.memref_slice %arg6[%add3A_22, %dma_wait3A_70] : memref<10240x128xf32, #tpu.memory_space<vmem_shared>> -> memref<64x128xf32, #tpu.memory_space<vmem_shared>>
      tpu.wait_dma2 semaphore(%run_scoped3A : memref<!tpu.dma_semaphore, #tpu.memory_space<semaphore_mem>>) src(%arg15 : memref<64x128xf32, #tpu.memory_space<vmem>>) dst(%dma_wait3A_71 : memref<64x128xf32, #tpu.memory_space<vmem_shared>>)
      tpu.yield
    }) : () -> ()
    %mul3A_23 = arith.constant 640 : i32
    %mul3A_24 = arith.muli %arg1, %mul3A_23 : i32
    %add3A_25 = arith.constant 256 : i32
    %add3A_26 = arith.addi %mul3A_24, %add3A_25 : i32
    "tpu.region"() ({
      %run_scoped3A = tpu.sem_alloc : memref<!tpu.dma_semaphore, #tpu.memory_space<semaphore_mem>>
      %dma_start3A = arith.constant 0 : i32
      %dma_start3A_66 = tpu.memref_slice %arg6[%add3A_26, %dma_start3A] : memref<10240x128xf32, #tpu.memory_space<vmem_shared>> -> memref<64x128xf32, #tpu.memory_space<vmem_shared>>
      %dma_start3A_67 = arith.constant 0 : i32
      %dma_start3A_68 = tpu.memref_slice %arg6[%add3A_26, %dma_start3A_67] : memref<10240x128xf32, #tpu.memory_space<vmem_shared>> -> memref<64x128xf32, #tpu.memory_space<vmem_shared>>
      tpu.enqueue_dma source(%arg15 : memref<64x128xf32, #tpu.memory_space<vmem>>) target(%dma_start3A_68 : memref<64x128xf32, #tpu.memory_space<vmem_shared>>) target_semaphore(%run_scoped3A : memref<!tpu.dma_semaphore, #tpu.memory_space<semaphore_mem>>)
      %dma_wait3A = arith.constant 0 : i32
      %dma_wait3A_69 = tpu.memref_slice %arg6[%add3A_26, %dma_wait3A] : memref<10240x128xf32, #tpu.memory_space<vmem_shared>> -> memref<64x128xf32, #tpu.memory_space<vmem_shared>>
      %dma_wait3A_70 = arith.constant 0 : i32
      %dma_wait3A_71 = tpu.memref_slice %arg6[%add3A_26, %dma_wait3A_70] : memref<10240x128xf32, #tpu.memory_space<vmem_shared>> -> memref<64x128xf32, #tpu.memory_space<vmem_shared>>
      tpu.wait_dma2 semaphore(%run_scoped3A : memref<!tpu.dma_semaphore, #tpu.memory_space<semaphore_mem>>) src(%arg15 : memref<64x128xf32, #tpu.memory_space<vmem>>) dst(%dma_wait3A_71 : memref<64x128xf32, #tpu.memory_space<vmem_shared>>)
      tpu.yield
    }) : () -> ()
    %mul3A_27 = arith.constant 640 : i32
    %mul3A_28 = arith.muli %arg1, %mul3A_27 : i32
    %add3A_29 = arith.constant 320 : i32
    %add3A_30 = arith.addi %mul3A_28, %add3A_29 : i32
    "tpu.region"() ({
      %run_scoped3A = tpu.sem_alloc : memref<!tpu.dma_semaphore, #tpu.memory_space<semaphore_mem>>
      %dma_start3A = arith.constant 0 : i32
      %dma_start3A_66 = tpu.memref_slice %arg6[%add3A_30, %dma_start3A] : memref<10240x128xf32, #tpu.memory_space<vmem_shared>> -> memref<64x128xf32, #tpu.memory_space<vmem_shared>>
      %dma_start3A_67 = arith.constant 0 : i32
      %dma_start3A_68 = tpu.memref_slice %arg6[%add3A_30, %dma_start3A_67] : memref<10240x128xf32, #tpu.memory_space<vmem_shared>> -> memref<64x128xf32, #tpu.memory_space<vmem_shared>>
      tpu.enqueue_dma source(%arg15 : memref<64x128xf32, #tpu.memory_space<vmem>>) target(%dma_start3A_68 : memref<64x128xf32, #tpu.memory_space<vmem_shared>>) target_semaphore(%run_scoped3A : memref<!tpu.dma_semaphore, #tpu.memory_space<semaphore_mem>>)
      %dma_wait3A = arith.constant 0 : i32
      %dma_wait3A_69 = tpu.memref_slice %arg6[%add3A_30, %dma_wait3A] : memref<10240x128xf32, #tpu.memory_space<vmem_shared>> -> memref<64x128xf32, #tpu.memory_space<vmem_shared>>
      %dma_wait3A_70 = arith.constant 0 : i32
      %dma_wait3A_71 = tpu.memref_slice %arg6[%add3A_30, %dma_wait3A_70] : memref<10240x128xf32, #tpu.memory_space<vmem_shared>> -> memref<64x128xf32, #tpu.memory_space<vmem_shared>>
      tpu.wait_dma2 semaphore(%run_scoped3A : memref<!tpu.dma_semaphore, #tpu.memory_space<semaphore_mem>>) src(%arg15 : memref<64x128xf32, #tpu.memory_space<vmem>>) dst(%dma_wait3A_71 : memref<64x128xf32, #tpu.memory_space<vmem_shared>>)
      tpu.yield
    }) : () -> ()
    %mul3A_31 = arith.constant 640 : i32
    %mul3A_32 = arith.muli %arg1, %mul3A_31 : i32
    %add3A_33 = arith.constant 384 : i32
    %add3A_34 = arith.addi %mul3A_32, %add3A_33 : i32
    "tpu.region"() ({
      %run_scoped3A = tpu.sem_alloc : memref<!tpu.dma_semaphore, #tpu.memory_space<semaphore_mem>>
      %dma_start3A = arith.constant 0 : i32
      %dma_start3A_66 = tpu.memref_slice %arg6[%add3A_34, %dma_start3A] : memref<10240x128xf32, #tpu.memory_space<vmem_shared>> -> memref<64x128xf32, #tpu.memory_space<vmem_shared>>
      %dma_start3A_67 = arith.constant 0 : i32
      %dma_start3A_68 = tpu.memref_slice %arg6[%add3A_34, %dma_start3A_67] : memref<10240x128xf32, #tpu.memory_space<vmem_shared>> -> memref<64x128xf32, #tpu.memory_space<vmem_shared>>
      tpu.enqueue_dma source(%arg15 : memref<64x128xf32, #tpu.memory_space<vmem>>) target(%dma_start3A_68 : memref<64x128xf32, #tpu.memory_space<vmem_shared>>) target_semaphore(%run_scoped3A : memref<!tpu.dma_semaphore, #tpu.memory_space<semaphore_mem>>)
      %dma_wait3A = arith.constant 0 : i32
      %dma_wait3A_69 = tpu.memref_slice %arg6[%add3A_34, %dma_wait3A] : memref<10240x128xf32, #tpu.memory_space<vmem_shared>> -> memref<64x128xf32, #tpu.memory_space<vmem_shared>>
      %dma_wait3A_70 = arith.constant 0 : i32
      %dma_wait3A_71 = tpu.memref_slice %arg6[%add3A_34, %dma_wait3A_70] : memref<10240x128xf32, #tpu.memory_space<vmem_shared>> -> memref<64x128xf32, #tpu.memory_space<vmem_shared>>
      tpu.wait_dma2 semaphore(%run_scoped3A : memref<!tpu.dma_semaphore, #tpu.memory_space<semaphore_mem>>) src(%arg15 : memref<64x128xf32, #tpu.memory_space<vmem>>) dst(%dma_wait3A_71 : memref<64x128xf32, #tpu.memory_space<vmem_shared>>)
      tpu.yield
    }) : () -> ()
    %mul3A_35 = arith.constant 640 : i32
    %mul3A_36 = arith.muli %arg1, %mul3A_35 : i32
    %add3A_37 = arith.constant 448 : i32
    %add3A_38 = arith.addi %mul3A_36, %add3A_37 : i32
    "tpu.region"() ({
      %run_scoped3A = tpu.sem_alloc : memref<!tpu.dma_semaphore, #tpu.memory_space<semaphore_mem>>
      %dma_start3A = arith.constant 0 : i32
      %dma_start3A_66 = tpu.memref_slice %arg6[%add3A_38, %dma_start3A] : memref<10240x128xf32, #tpu.memory_space<vmem_shared>> -> memref<64x128xf32, #tpu.memory_space<vmem_shared>>
      %dma_start3A_67 = arith.constant 0 : i32
      %dma_start3A_68 = tpu.memref_slice %arg6[%add3A_38, %dma_start3A_67] : memref<10240x128xf32, #tpu.memory_space<vmem_shared>> -> memref<64x128xf32, #tpu.memory_space<vmem_shared>>
      tpu.enqueue_dma source(%arg15 : memref<64x128xf32, #tpu.memory_space<vmem>>) target(%dma_start3A_68 : memref<64x128xf32, #tpu.memory_space<vmem_shared>>) target_semaphore(%run_scoped3A : memref<!tpu.dma_semaphore, #tpu.memory_space<semaphore_mem>>)
      %dma_wait3A = arith.constant 0 : i32
      %dma_wait3A_69 = tpu.memref_slice %arg6[%add3A_38, %dma_wait3A] : memref<10240x128xf32, #tpu.memory_space<vmem_shared>> -> memref<64x128xf32, #tpu.memory_space<vmem_shared>>
      %dma_wait3A_70 = arith.constant 0 : i32
      %dma_wait3A_71 = tpu.memref_slice %arg6[%add3A_38, %dma_wait3A_70] : memref<10240x128xf32, #tpu.memory_space<vmem_shared>> -> memref<64x128xf32, #tpu.memory_space<vmem_shared>>
      tpu.wait_dma2 semaphore(%run_scoped3A : memref<!tpu.dma_semaphore, #tpu.memory_space<semaphore_mem>>) src(%arg15 : memref<64x128xf32, #tpu.memory_space<vmem>>) dst(%dma_wait3A_71 : memref<64x128xf32, #tpu.memory_space<vmem_shared>>)
      tpu.yield
    }) : () -> ()
    %mul3A_39 = arith.constant 640 : i32
    %mul3A_40 = arith.muli %arg1, %mul3A_39 : i32
    %add3A_41 = arith.constant 512 : i32
    %add3A_42 = arith.addi %mul3A_40, %add3A_41 : i32
    "tpu.region"() ({
      %run_scoped3A = tpu.sem_alloc : memref<!tpu.dma_semaphore, #tpu.memory_space<semaphore_mem>>
      %dma_start3A = arith.constant 0 : i32
      %dma_start3A_66 = tpu.memref_slice %arg6[%add3A_42, %dma_start3A] : memref<10240x128xf32, #tpu.memory_space<vmem_shared>> -> memref<64x128xf32, #tpu.memory_space<vmem_shared>>
      %dma_start3A_67 = arith.constant 0 : i32
      %dma_start3A_68 = tpu.memref_slice %arg6[%add3A_42, %dma_start3A_67] : memref<10240x128xf32, #tpu.memory_space<vmem_shared>> -> memref<64x128xf32, #tpu.memory_space<vmem_shared>>
      tpu.enqueue_dma source(%arg15 : memref<64x128xf32, #tpu.memory_space<vmem>>) target(%dma_start3A_68 : memref<64x128xf32, #tpu.memory_space<vmem_shared>>) target_semaphore(%run_scoped3A : memref<!tpu.dma_semaphore, #tpu.memory_space<semaphore_mem>>)
      %dma_wait3A = arith.constant 0 : i32
      %dma_wait3A_69 = tpu.memref_slice %arg6[%add3A_42, %dma_wait3A] : memref<10240x128xf32, #tpu.memory_space<vmem_shared>> -> memref<64x128xf32, #tpu.memory_space<vmem_shared>>
      %dma_wait3A_70 = arith.constant 0 : i32
      %dma_wait3A_71 = tpu.memref_slice %arg6[%add3A_42, %dma_wait3A_70] : memref<10240x128xf32, #tpu.memory_space<vmem_shared>> -> memref<64x128xf32, #tpu.memory_space<vmem_shared>>
      tpu.wait_dma2 semaphore(%run_scoped3A : memref<!tpu.dma_semaphore, #tpu.memory_space<semaphore_mem>>) src(%arg15 : memref<64x128xf32, #tpu.memory_space<vmem>>) dst(%dma_wait3A_71 : memref<64x128xf32, #tpu.memory_space<vmem_shared>>)
      tpu.yield
    }) : () -> ()
    %mul3A_43 = arith.constant 640 : i32
    %mul3A_44 = arith.muli %arg1, %mul3A_43 : i32
    %add3A_45 = arith.constant 576 : i32
    %add3A_46 = arith.addi %mul3A_44, %add3A_45 : i32
    "tpu.region"() ({
      %run_scoped3A = tpu.sem_alloc : memref<!tpu.dma_semaphore, #tpu.memory_space<semaphore_mem>>
      %dma_start3A = arith.constant 0 : i32
      %dma_start3A_66 = tpu.memref_slice %arg6[%add3A_46, %dma_start3A] : memref<10240x128xf32, #tpu.memory_space<vmem_shared>> -> memref<64x128xf32, #tpu.memory_space<vmem_shared>>
      %dma_start3A_67 = arith.constant 0 : i32
      %dma_start3A_68 = tpu.memref_slice %arg6[%add3A_46, %dma_start3A_67] : memref<10240x128xf32, #tpu.memory_space<vmem_shared>> -> memref<64x128xf32, #tpu.memory_space<vmem_shared>>
      tpu.enqueue_dma source(%arg15 : memref<64x128xf32, #tpu.memory_space<vmem>>) target(%dma_start3A_68 : memref<64x128xf32, #tpu.memory_space<vmem_shared>>) target_semaphore(%run_scoped3A : memref<!tpu.dma_semaphore, #tpu.memory_space<semaphore_mem>>)
      %dma_wait3A = arith.constant 0 : i32
      %dma_wait3A_69 = tpu.memref_slice %arg6[%add3A_46, %dma_wait3A] : memref<10240x128xf32, #tpu.memory_space<vmem_shared>> -> memref<64x128xf32, #tpu.memory_space<vmem_shared>>
      %dma_wait3A_70 = arith.constant 0 : i32
      %dma_wait3A_71 = tpu.memref_slice %arg6[%add3A_46, %dma_wait3A_70] : memref<10240x128xf32, #tpu.memory_space<vmem_shared>> -> memref<64x128xf32, #tpu.memory_space<vmem_shared>>
      tpu.wait_dma2 semaphore(%run_scoped3A : memref<!tpu.dma_semaphore, #tpu.memory_space<semaphore_mem>>) src(%arg15 : memref<64x128xf32, #tpu.memory_space<vmem>>) dst(%dma_wait3A_71 : memref<64x128xf32, #tpu.memory_space<vmem_shared>>)
      tpu.yield
    }) : () -> ()
    %barrier3A = arith.constant 0 : index
    tpu.barrier barrier_id(%barrier3A)
    %scan3A_47 = arith.constant 0 : i32
    %scan3A_48 = arith.constant 0 : i32
    %scan3A_49 = arith.constant 39 : i32
    %scan3A_50 = arith.addi %scan3A_48, %scan3A_49 : i32
    %scan3A_51 = arith.constant 1 : i32
    %scan3A_52 = scf.for %scan3A_66 = %scan3A_48 to %scan3A_50 step %scan3A_51 iter_args(%scan3A_67 = %scan3A_47) -> (i32)  : i32 {
      %mul3A_68 = arith.constant 4 : i32
      %mul3A_69 = arith.muli %scan3A_66, %mul3A_68 : i32
      %add3A_70 = arith.constant 0 : i32
      %add3A_71 = arith.addi %mul3A_69, %add3A_70 : i32
      %mul3A_72 = arith.constant 32 : i32
      %mul3A_73 = arith.muli %add3A_71, %mul3A_72 : i32
      %add3A_74 = arith.addi %mul3A_73, %add3A : i32
      %mul3A_75 = arith.constant 64 : i32
      %mul3A_76 = arith.muli %add3A_74, %mul3A_75 : i32
      %dma_start3A = tpu.memref_slice %arg3[%mul3A_76] : memref<320000xi32, #tpu.memory_space<hbm>> -> memref<64xi32, #tpu.memory_space<hbm>>
      %dma_start3A_77 = tpu.memref_slice %arg3[%mul3A_76] : memref<320000xi32, #tpu.memory_space<hbm>> -> memref<64xi32, #tpu.memory_space<hbm>>
      tpu.enqueue_dma source(%dma_start3A_77 : memref<64xi32, #tpu.memory_space<hbm>>) target(%arg7 : memref<64xi32, #tpu.memory_space<vmem>>) target_semaphore(%arg19 : memref<!tpu.dma_semaphore, #tpu.memory_space<semaphore_mem>>)
      %dma_start3A_78 = tpu.memref_slice %arg4[%mul3A_76] : memref<320000xi32, #tpu.memory_space<hbm>> -> memref<64xi32, #tpu.memory_space<hbm>>
      %dma_start3A_79 = tpu.memref_slice %arg4[%mul3A_76] : memref<320000xi32, #tpu.memory_space<hbm>> -> memref<64xi32, #tpu.memory_space<hbm>>
      tpu.enqueue_dma source(%dma_start3A_79 : memref<64xi32, #tpu.memory_space<hbm>>) target(%arg11 : memref<64xi32, #tpu.memory_space<vmem>>) target_semaphore(%arg23 : memref<!tpu.dma_semaphore, #tpu.memory_space<semaphore_mem>>)
      %mul3A_80 = arith.constant 4 : i32
      %mul3A_81 = arith.muli %scan3A_66, %mul3A_80 : i32
      %add3A_82 = arith.constant 1 : i32
      %add3A_83 = arith.addi %mul3A_81, %add3A_82 : i32
      %mul3A_84 = arith.constant 32 : i32
      %mul3A_85 = arith.muli %add3A_83, %mul3A_84 : i32
      %add3A_86 = arith.addi %mul3A_85, %add3A : i32
      %mul3A_87 = arith.constant 64 : i32
      %mul3A_88 = arith.muli %add3A_86, %mul3A_87 : i32
      %dma_start3A_89 = tpu.memref_slice %arg3[%mul3A_88] : memref<320000xi32, #tpu.memory_space<hbm>> -> memref<64xi32, #tpu.memory_space<hbm>>
      %dma_start3A_90 = tpu.memref_slice %arg3[%mul3A_88] : memref<320000xi32, #tpu.memory_space<hbm>> -> memref<64xi32, #tpu.memory_space<hbm>>
      tpu.enqueue_dma source(%dma_start3A_90 : memref<64xi32, #tpu.memory_space<hbm>>) target(%arg8 : memref<64xi32, #tpu.memory_space<vmem>>) target_semaphore(%arg20 : memref<!tpu.dma_semaphore, #tpu.memory_space<semaphore_mem>>)
      %dma_start3A_91 = tpu.memref_slice %arg4[%mul3A_88] : memref<320000xi32, #tpu.memory_space<hbm>> -> memref<64xi32, #tpu.memory_space<hbm>>
      %dma_start3A_92 = tpu.memref_slice %arg4[%mul3A_88] : memref<320000xi32, #tpu.memory_space<hbm>> -> memref<64xi32, #tpu.memory_space<hbm>>
      tpu.enqueue_dma source(%dma_start3A_92 : memref<64xi32, #tpu.memory_space<hbm>>) target(%arg12 : memref<64xi32, #tpu.memory_space<vmem>>) target_semaphore(%arg24 : memref<!tpu.dma_semaphore, #tpu.memory_space<semaphore_mem>>)
      %mul3A_93 = arith.constant 4 : i32
      %mul3A_94 = arith.muli %scan3A_66, %mul3A_93 : i32
      %add3A_95 = arith.constant 2 : i32
      %add3A_96 = arith.addi %mul3A_94, %add3A_95 : i32
      %mul3A_97 = arith.constant 32 : i32
      %mul3A_98 = arith.muli %add3A_96, %mul3A_97 : i32
      %add3A_99 = arith.addi %mul3A_98, %add3A : i32
      %mul3A_100 = arith.constant 64 : i32
      %mul3A_101 = arith.muli %add3A_99, %mul3A_100 : i32
      %dma_start3A_102 = tpu.memref_slice %arg3[%mul3A_101] : memref<320000xi32, #tpu.memory_space<hbm>> -> memref<64xi32, #tpu.memory_space<hbm>>
      %dma_start3A_103 = tpu.memref_slice %arg3[%mul3A_101] : memref<320000xi32, #tpu.memory_space<hbm>> -> memref<64xi32, #tpu.memory_space<hbm>>
      tpu.enqueue_dma source(%dma_start3A_103 : memref<64xi32, #tpu.memory_space<hbm>>) target(%arg9 : memref<64xi32, #tpu.memory_space<vmem>>) target_semaphore(%arg21 : memref<!tpu.dma_semaphore, #tpu.memory_space<semaphore_mem>>)
      %dma_start3A_104 = tpu.memref_slice %arg4[%mul3A_101] : memref<320000xi32, #tpu.memory_space<hbm>> -> memref<64xi32, #tpu.memory_space<hbm>>
      %dma_start3A_105 = tpu.memref_slice %arg4[%mul3A_101] : memref<320000xi32, #tpu.memory_space<hbm>> -> memref<64xi32, #tpu.memory_space<hbm>>
      tpu.enqueue_dma source(%dma_start3A_105 : memref<64xi32, #tpu.memory_space<hbm>>) target(%arg13 : memref<64xi32, #tpu.memory_space<vmem>>) target_semaphore(%arg25 : memref<!tpu.dma_semaphore, #tpu.memory_space<semaphore_mem>>)
      %mul3A_106 = arith.constant 4 : i32
      %mul3A_107 = arith.muli %scan3A_66, %mul3A_106 : i32
      %add3A_108 = arith.constant 3 : i32
      %add3A_109 = arith.addi %mul3A_107, %add3A_108 : i32
      %mul3A_110 = arith.constant 32 : i32
      %mul3A_111 = arith.muli %add3A_109, %mul3A_110 : i32
      %add3A_112 = arith.addi %mul3A_111, %add3A : i32
      %mul3A_113 = arith.constant 64 : i32
      %mul3A_114 = arith.muli %add3A_112, %mul3A_113 : i32
      %dma_start3A_115 = tpu.memref_slice %arg3[%mul3A_114] : memref<320000xi32, #tpu.memory_space<hbm>> -> memref<64xi32, #tpu.memory_space<hbm>>
      %dma_start3A_116 = tpu.memref_slice %arg3[%mul3A_114] : memref<320000xi32, #tpu.memory_space<hbm>> -> memref<64xi32, #tpu.memory_space<hbm>>
      tpu.enqueue_dma source(%dma_start3A_116 : memref<64xi32, #tpu.memory_space<hbm>>) target(%arg10 : memref<64xi32, #tpu.memory_space<vmem>>) target_semaphore(%arg22 : memref<!tpu.dma_semaphore, #tpu.memory_space<semaphore_mem>>)
      %dma_start3A_117 = tpu.memref_slice %arg4[%mul3A_114] : memref<320000xi32, #tpu.memory_space<hbm>> -> memref<64xi32, #tpu.memory_space<hbm>>
      %dma_start3A_118 = tpu.memref_slice %arg4[%mul3A_114] : memref<320000xi32, #tpu.memory_space<hbm>> -> memref<64xi32, #tpu.memory_space<hbm>>
      tpu.enqueue_dma source(%dma_start3A_118 : memref<64xi32, #tpu.memory_space<hbm>>) target(%arg14 : memref<64xi32, #tpu.memory_space<vmem>>) target_semaphore(%arg26 : memref<!tpu.dma_semaphore, #tpu.memory_space<semaphore_mem>>)
      %dma_wait3A = tpu.memref_slice %arg3[%mul3A_76] : memref<320000xi32, #tpu.memory_space<hbm>> -> memref<64xi32, #tpu.memory_space<hbm>>
      %dma_wait3A_119 = tpu.memref_slice %arg3[%mul3A_76] : memref<320000xi32, #tpu.memory_space<hbm>> -> memref<64xi32, #tpu.memory_space<hbm>>
      tpu.wait_dma2 semaphore(%arg19 : memref<!tpu.dma_semaphore, #tpu.memory_space<semaphore_mem>>) src(%dma_wait3A_119 : memref<64xi32, #tpu.memory_space<hbm>>) dst(%arg7 : memref<64xi32, #tpu.memory_space<vmem>>)
      %dma_start3A_120 = arith.constant 0 : i32
      %dma_start3A_121 = arith.constant 0 : i32
      %dma_start3A_122 = tpu.memref_slice %arg2[%dma_start3A_120, %dma_start3A_121] : memref<10000x128xf32, #tpu.memory_space<hbm>> -> memref<10000x128xf32, #tpu.memory_space<hbm>>
      tpu.enqueue_indirect_dma source(%dma_start3A_122 : memref<10000x128xf32, #tpu.memory_space<hbm>>) target(%arg15 : memref<64x128xf32, #tpu.memory_space<vmem>>) offsets(%arg7 : memref<64xi32, #tpu.memory_space<vmem>>) semaphore(%arg27 : memref<!tpu.dma_semaphore, #tpu.memory_space<semaphore_mem>>)
      %dma_wait3A_123 = tpu.memref_slice %arg3[%mul3A_88] : memref<320000xi32, #tpu.memory_space<hbm>> -> memref<64xi32, #tpu.memory_space<hbm>>
      %dma_wait3A_124 = tpu.memref_slice %arg3[%mul3A_88] : memref<320000xi32, #tpu.memory_space<hbm>> -> memref<64xi32, #tpu.memory_space<hbm>>
      tpu.wait_dma2 semaphore(%arg20 : memref<!tpu.dma_semaphore, #tpu.memory_space<semaphore_mem>>) src(%dma_wait3A_124 : memref<64xi32, #tpu.memory_space<hbm>>) dst(%arg8 : memref<64xi32, #tpu.memory_space<vmem>>)
      %dma_start3A_125 = arith.constant 0 : i32
      %dma_start3A_126 = arith.constant 0 : i32
      %dma_start3A_127 = tpu.memref_slice %arg2[%dma_start3A_125, %dma_start3A_126] : memref<10000x128xf32, #tpu.memory_space<hbm>> -> memref<10000x128xf32, #tpu.memory_space<hbm>>
      tpu.enqueue_indirect_dma source(%dma_start3A_127 : memref<10000x128xf32, #tpu.memory_space<hbm>>) target(%arg16 : memref<64x128xf32, #tpu.memory_space<vmem>>) offsets(%arg8 : memref<64xi32, #tpu.memory_space<vmem>>) semaphore(%arg28 : memref<!tpu.dma_semaphore, #tpu.memory_space<semaphore_mem>>)
      %dma_wait3A_128 = tpu.memref_slice %arg3[%mul3A_101] : memref<320000xi32, #tpu.memory_space<hbm>> -> memref<64xi32, #tpu.memory_space<hbm>>
      %dma_wait3A_129 = tpu.memref_slice %arg3[%mul3A_101] : memref<320000xi32, #tpu.memory_space<hbm>> -> memref<64xi32, #tpu.memory_space<hbm>>
      tpu.wait_dma2 semaphore(%arg21 : memref<!tpu.dma_semaphore, #tpu.memory_space<semaphore_mem>>) src(%dma_wait3A_129 : memref<64xi32, #tpu.memory_space<hbm>>) dst(%arg9 : memref<64xi32, #tpu.memory_space<vmem>>)
      %dma_start3A_130 = arith.constant 0 : i32
      %dma_start3A_131 = arith.constant 0 : i32
      %dma_start3A_132 = tpu.memref_slice %arg2[%dma_start3A_130, %dma_start3A_131] : memref<10000x128xf32, #tpu.memory_space<hbm>> -> memref<10000x128xf32, #tpu.memory_space<hbm>>
      tpu.enqueue_indirect_dma source(%dma_start3A_132 : memref<10000x128xf32, #tpu.memory_space<hbm>>) target(%arg17 : memref<64x128xf32, #tpu.memory_space<vmem>>) offsets(%arg9 : memref<64xi32, #tpu.memory_space<vmem>>) semaphore(%arg29 : memref<!tpu.dma_semaphore, #tpu.memory_space<semaphore_mem>>)
      %dma_wait3A_133 = tpu.memref_slice %arg3[%mul3A_114] : memref<320000xi32, #tpu.memory_space<hbm>> -> memref<64xi32, #tpu.memory_space<hbm>>
      %dma_wait3A_134 = tpu.memref_slice %arg3[%mul3A_114] : memref<320000xi32, #tpu.memory_space<hbm>> -> memref<64xi32, #tpu.memory_space<hbm>>
      tpu.wait_dma2 semaphore(%arg22 : memref<!tpu.dma_semaphore, #tpu.memory_space<semaphore_mem>>) src(%dma_wait3A_134 : memref<64xi32, #tpu.memory_space<hbm>>) dst(%arg10 : memref<64xi32, #tpu.memory_space<vmem>>)
      %dma_start3A_135 = arith.constant 0 : i32
      %dma_start3A_136 = arith.constant 0 : i32
      %dma_start3A_137 = tpu.memref_slice %arg2[%dma_start3A_135, %dma_start3A_136] : memref<10000x128xf32, #tpu.memory_space<hbm>> -> memref<10000x128xf32, #tpu.memory_space<hbm>>
      tpu.enqueue_indirect_dma source(%dma_start3A_137 : memref<10000x128xf32, #tpu.memory_space<hbm>>) target(%arg18 : memref<64x128xf32, #tpu.memory_space<vmem>>) offsets(%arg10 : memref<64xi32, #tpu.memory_space<vmem>>) semaphore(%arg30 : memref<!tpu.dma_semaphore, #tpu.memory_space<semaphore_mem>>)
      %dma_wait3A_138 = arith.constant 0 : i32
      %dma_wait3A_139 = arith.constant 0 : i32
      %dma_wait3A_140 = tpu.memref_slice %arg2[%dma_wait3A_138, %dma_wait3A_139] : memref<10000x128xf32, #tpu.memory_space<hbm>> -> memref<10000x128xf32, #tpu.memory_space<hbm>>
      tpu.wait_indirect_dma semaphore(%arg27 : memref<!tpu.dma_semaphore, #tpu.memory_space<semaphore_mem>>) src(%dma_wait3A_140 : memref<10000x128xf32, #tpu.memory_space<hbm>>) dst(%arg15 : memref<64x128xf32, #tpu.memory_space<vmem>>)
      %dma_wait3A_141 = tpu.memref_slice %arg4[%mul3A_76] : memref<320000xi32, #tpu.memory_space<hbm>> -> memref<64xi32, #tpu.memory_space<hbm>>
      %dma_wait3A_142 = tpu.memref_slice %arg4[%mul3A_76] : memref<320000xi32, #tpu.memory_space<hbm>> -> memref<64xi32, #tpu.memory_space<hbm>>
      tpu.wait_dma2 semaphore(%arg23 : memref<!tpu.dma_semaphore, #tpu.memory_space<semaphore_mem>>) src(%dma_wait3A_142 : memref<64xi32, #tpu.memory_space<hbm>>) dst(%arg11 : memref<64xi32, #tpu.memory_space<vmem>>)
      %dma_start3A_143 = arith.constant 0 : i32
      %dma_start3A_144 = arith.constant 0 : i32
      %dma_start3A_145 = tpu.memref_slice %arg6[%dma_start3A_143, %dma_start3A_144] : memref<10240x128xf32, #tpu.memory_space<vmem_shared>> -> memref<10240x128xf32, #tpu.memory_space<vmem_shared>>
      tpu.enqueue_indirect_dma source(%arg15 : memref<64x128xf32, #tpu.memory_space<vmem>>) target(%dma_start3A_145 : memref<10240x128xf32, #tpu.memory_space<vmem_shared>>) offsets(%arg11 : memref<64xi32, #tpu.memory_space<vmem>>) semaphore(%arg31 : memref<!tpu.dma_semaphore, #tpu.memory_space<semaphore_mem>>) {add = true}
      %dma_wait3A_146 = arith.constant 0 : i32
      %dma_wait3A_147 = arith.constant 0 : i32
      %dma_wait3A_148 = tpu.memref_slice %arg2[%dma_wait3A_146, %dma_wait3A_147] : memref<10000x128xf32, #tpu.memory_space<hbm>> -> memref<10000x128xf32, #tpu.memory_space<hbm>>
      tpu.wait_indirect_dma semaphore(%arg28 : memref<!tpu.dma_semaphore, #tpu.memory_space<semaphore_mem>>) src(%dma_wait3A_148 : memref<10000x128xf32, #tpu.memory_space<hbm>>) dst(%arg16 : memref<64x128xf32, #tpu.memory_space<vmem>>)
      %dma_wait3A_149 = tpu.memref_slice %arg4[%mul3A_88] : memref<320000xi32, #tpu.memory_space<hbm>> -> memref<64xi32, #tpu.memory_space<hbm>>
      %dma_wait3A_150 = tpu.memref_slice %arg4[%mul3A_88] : memref<320000xi32, #tpu.memory_space<hbm>> -> memref<64xi32, #tpu.memory_space<hbm>>
      tpu.wait_dma2 semaphore(%arg24 : memref<!tpu.dma_semaphore, #tpu.memory_space<semaphore_mem>>) src(%dma_wait3A_150 : memref<64xi32, #tpu.memory_space<hbm>>) dst(%arg12 : memref<64xi32, #tpu.memory_space<vmem>>)
      %dma_start3A_151 = arith.constant 0 : i32
      %dma_start3A_152 = arith.constant 0 : i32
      %dma_start3A_153 = tpu.memref_slice %arg6[%dma_start3A_151, %dma_start3A_152] : memref<10240x128xf32, #tpu.memory_space<vmem_shared>> -> memref<10240x128xf32, #tpu.memory_space<vmem_shared>>
      tpu.enqueue_indirect_dma source(%arg16 : memref<64x128xf32, #tpu.memory_space<vmem>>) target(%dma_start3A_153 : memref<10240x128xf32, #tpu.memory_space<vmem_shared>>) offsets(%arg12 : memref<64xi32, #tpu.memory_space<vmem>>) semaphore(%arg32 : memref<!tpu.dma_semaphore, #tpu.memory_space<semaphore_mem>>) {add = true}
      %dma_wait3A_154 = arith.constant 0 : i32
      %dma_wait3A_155 = arith.constant 0 : i32
      %dma_wait3A_156 = tpu.memref_slice %arg2[%dma_wait3A_154, %dma_wait3A_155] : memref<10000x128xf32, #tpu.memory_space<hbm>> -> memref<10000x128xf32, #tpu.memory_space<hbm>>
      tpu.wait_indirect_dma semaphore(%arg29 : memref<!tpu.dma_semaphore, #tpu.memory_space<semaphore_mem>>) src(%dma_wait3A_156 : memref<10000x128xf32, #tpu.memory_space<hbm>>) dst(%arg17 : memref<64x128xf32, #tpu.memory_space<vmem>>)
      %dma_wait3A_157 = tpu.memref_slice %arg4[%mul3A_101] : memref<320000xi32, #tpu.memory_space<hbm>> -> memref<64xi32, #tpu.memory_space<hbm>>
      %dma_wait3A_158 = tpu.memref_slice %arg4[%mul3A_101] : memref<320000xi32, #tpu.memory_space<hbm>> -> memref<64xi32, #tpu.memory_space<hbm>>
      tpu.wait_dma2 semaphore(%arg25 : memref<!tpu.dma_semaphore, #tpu.memory_space<semaphore_mem>>) src(%dma_wait3A_158 : memref<64xi32, #tpu.memory_space<hbm>>) dst(%arg13 : memref<64xi32, #tpu.memory_space<vmem>>)
      %dma_start3A_159 = arith.constant 0 : i32
      %dma_start3A_160 = arith.constant 0 : i32
      %dma_start3A_161 = tpu.memref_slice %arg6[%dma_start3A_159, %dma_start3A_160] : memref<10240x128xf32, #tpu.memory_space<vmem_shared>> -> memref<10240x128xf32, #tpu.memory_space<vmem_shared>>
      tpu.enqueue_indirect_dma source(%arg17 : memref<64x128xf32, #tpu.memory_space<vmem>>) target(%dma_start3A_161 : memref<10240x128xf32, #tpu.memory_space<vmem_shared>>) offsets(%arg13 : memref<64xi32, #tpu.memory_space<vmem>>) semaphore(%arg33 : memref<!tpu.dma_semaphore, #tpu.memory_space<semaphore_mem>>) {add = true}
      %dma_wait3A_162 = arith.constant 0 : i32
      %dma_wait3A_163 = arith.constant 0 : i32
      %dma_wait3A_164 = tpu.memref_slice %arg2[%dma_wait3A_162, %dma_wait3A_163] : memref<10000x128xf32, #tpu.memory_space<hbm>> -> memref<10000x128xf32, #tpu.memory_space<hbm>>
      tpu.wait_indirect_dma semaphore(%arg30 : memref<!tpu.dma_semaphore, #tpu.memory_space<semaphore_mem>>) src(%dma_wait3A_164 : memref<10000x128xf32, #tpu.memory_space<hbm>>) dst(%arg18 : memref<64x128xf32, #tpu.memory_space<vmem>>)
      %dma_wait3A_165 = tpu.memref_slice %arg4[%mul3A_114] : memref<320000xi32, #tpu.memory_space<hbm>> -> memref<64xi32, #tpu.memory_space<hbm>>
      %dma_wait3A_166 = tpu.memref_slice %arg4[%mul3A_114] : memref<320000xi32, #tpu.memory_space<hbm>> -> memref<64xi32, #tpu.memory_space<hbm>>
      tpu.wait_dma2 semaphore(%arg26 : memref<!tpu.dma_semaphore, #tpu.memory_space<semaphore_mem>>) src(%dma_wait3A_166 : memref<64xi32, #tpu.memory_space<hbm>>) dst(%arg14 : memref<64xi32, #tpu.memory_space<vmem>>)
      %dma_start3A_167 = arith.constant 0 : i32
      %dma_start3A_168 = arith.constant 0 : i32
      %dma_start3A_169 = tpu.memref_slice %arg6[%dma_start3A_167, %dma_start3A_168] : memref<10240x128xf32, #tpu.memory_space<vmem_shared>> -> memref<10240x128xf32, #tpu.memory_space<vmem_shared>>
      tpu.enqueue_indirect_dma source(%arg18 : memref<64x128xf32, #tpu.memory_space<vmem>>) target(%dma_start3A_169 : memref<10240x128xf32, #tpu.memory_space<vmem_shared>>) offsets(%arg14 : memref<64xi32, #tpu.memory_space<vmem>>) semaphore(%arg34 : memref<!tpu.dma_semaphore, #tpu.memory_space<semaphore_mem>>) {add = true}
      %dma_wait3A_170 = arith.constant 0 : i32
      %dma_wait3A_171 = arith.constant 0 : i32
      %dma_wait3A_172 = tpu.memref_slice %arg6[%dma_wait3A_170, %dma_wait3A_171] : memref<10240x128xf32, #tpu.memory_space<vmem_shared>> -> memref<10240x128xf32, #tpu.memory_space<vmem_shared>>
      tpu.wait_indirect_dma semaphore(%arg31 : memref<!tpu.dma_semaphore, #tpu.memory_space<semaphore_mem>>) src(%arg15 : memref<64x128xf32, #tpu.memory_space<vmem>>) dst(%dma_wait3A_172 : memref<10240x128xf32, #tpu.memory_space<vmem_shared>>)
      %dma_wait3A_173 = arith.constant 0 : i32
      %dma_wait3A_174 = arith.constant 0 : i32
      %dma_wait3A_175 = tpu.memref_slice %arg6[%dma_wait3A_173, %dma_wait3A_174] : memref<10240x128xf32, #tpu.memory_space<vmem_shared>> -> memref<10240x128xf32, #tpu.memory_space<vmem_shared>>
      tpu.wait_indirect_dma semaphore(%arg32 : memref<!tpu.dma_semaphore, #tpu.memory_space<semaphore_mem>>) src(%arg16 : memref<64x128xf32, #tpu.memory_space<vmem>>) dst(%dma_wait3A_175 : memref<10240x128xf32, #tpu.memory_space<vmem_shared>>)
      %dma_wait3A_176 = arith.constant 0 : i32
      %dma_wait3A_177 = arith.constant 0 : i32
      %dma_wait3A_178 = tpu.memref_slice %arg6[%dma_wait3A_176, %dma_wait3A_177] : memref<10240x128xf32, #tpu.memory_space<vmem_shared>> -> memref<10240x128xf32, #tpu.memory_space<vmem_shared>>
      tpu.wait_indirect_dma semaphore(%arg33 : memref<!tpu.dma_semaphore, #tpu.memory_space<semaphore_mem>>) src(%arg17 : memref<64x128xf32, #tpu.memory_space<vmem>>) dst(%dma_wait3A_178 : memref<10240x128xf32, #tpu.memory_space<vmem_shared>>)
      %dma_wait3A_179 = arith.constant 0 : i32
      %dma_wait3A_180 = arith.constant 0 : i32
      %dma_wait3A_181 = tpu.memref_slice %arg6[%dma_wait3A_179, %dma_wait3A_180] : memref<10240x128xf32, #tpu.memory_space<vmem_shared>> -> memref<10240x128xf32, #tpu.memory_space<vmem_shared>>
      tpu.wait_indirect_dma semaphore(%arg34 : memref<!tpu.dma_semaphore, #tpu.memory_space<semaphore_mem>>) src(%arg18 : memref<64x128xf32, #tpu.memory_space<vmem>>) dst(%dma_wait3A_181 : memref<10240x128xf32, #tpu.memory_space<vmem_shared>>)
      %scan3A_182 = arith.constant 0 : i32
      scf.yield %scan3A_182 : i32
    }
    %scan3A_53 = arith.constant 39 : i32
    %lt3A = arith.constant 8 : i32
    %lt3A_54 = arith.cmpi slt, %add3A, %lt3A : i32
    %convert_element_type3A = arith.extui %lt3A_54 : i1 to i32
    %cond3A = arith.constant 0 : i32
    %cond3A_55 = arith.cmpi ne, %convert_element_type3A, %cond3A : i32
    scf.if %cond3A_55 {
      %add3A_66 = arith.constant 4992 : i32
      %add3A_67 = arith.addi %add3A_66, %add3A : i32
      %mul3A_68 = arith.constant 64 : i32
      %mul3A_69 = arith.muli %add3A_67, %mul3A_68 : i32
      "tpu.region"() ({
        %run_scoped3A = tpu.sem_alloc : memref<!tpu.dma_semaphore, #tpu.memory_space<semaphore_mem>>
        %dma_start3A_74 = tpu.memref_slice %arg3[%mul3A_69] : memref<320000xi32, #tpu.memory_space<hbm>> -> memref<64xi32, #tpu.memory_space<hbm>>
        %dma_start3A_75 = tpu.memref_slice %arg3[%mul3A_69] : memref<320000xi32, #tpu.memory_space<hbm>> -> memref<64xi32, #tpu.memory_space<hbm>>
        tpu.enqueue_dma source(%dma_start3A_75 : memref<64xi32, #tpu.memory_space<hbm>>) target(%arg7 : memref<64xi32, #tpu.memory_space<vmem>>) target_semaphore(%run_scoped3A : memref<!tpu.dma_semaphore, #tpu.memory_space<semaphore_mem>>)
        %dma_wait3A_76 = tpu.memref_slice %arg3[%mul3A_69] : memref<320000xi32, #tpu.memory_space<hbm>> -> memref<64xi32, #tpu.memory_space<hbm>>
        %dma_wait3A_77 = tpu.memref_slice %arg3[%mul3A_69] : memref<320000xi32, #tpu.memory_space<hbm>> -> memref<64xi32, #tpu.memory_space<hbm>>
        tpu.wait_dma2 semaphore(%run_scoped3A : memref<!tpu.dma_semaphore, #tpu.memory_space<semaphore_mem>>) src(%dma_wait3A_77 : memref<64xi32, #tpu.memory_space<hbm>>) dst(%arg7 : memref<64xi32, #tpu.memory_space<vmem>>)
        tpu.yield
      }) : () -> ()
      "tpu.region"() ({
        %run_scoped3A = tpu.sem_alloc : memref<!tpu.dma_semaphore, #tpu.memory_space<semaphore_mem>>
        %dma_start3A_74 = tpu.memref_slice %arg4[%mul3A_69] : memref<320000xi32, #tpu.memory_space<hbm>> -> memref<64xi32, #tpu.memory_space<hbm>>
        %dma_start3A_75 = tpu.memref_slice %arg4[%mul3A_69] : memref<320000xi32, #tpu.memory_space<hbm>> -> memref<64xi32, #tpu.memory_space<hbm>>
        tpu.enqueue_dma source(%dma_start3A_75 : memref<64xi32, #tpu.memory_space<hbm>>) target(%arg11 : memref<64xi32, #tpu.memory_space<vmem>>) target_semaphore(%run_scoped3A : memref<!tpu.dma_semaphore, #tpu.memory_space<semaphore_mem>>)
        %dma_wait3A_76 = tpu.memref_slice %arg4[%mul3A_69] : memref<320000xi32, #tpu.memory_space<hbm>> -> memref<64xi32, #tpu.memory_space<hbm>>
        %dma_wait3A_77 = tpu.memref_slice %arg4[%mul3A_69] : memref<320000xi32, #tpu.memory_space<hbm>> -> memref<64xi32, #tpu.memory_space<hbm>>
        tpu.wait_dma2 semaphore(%run_scoped3A : memref<!tpu.dma_semaphore, #tpu.memory_space<semaphore_mem>>) src(%dma_wait3A_77 : memref<64xi32, #tpu.memory_space<hbm>>) dst(%arg11 : memref<64xi32, #tpu.memory_space<vmem>>)
        tpu.yield
      }) : () -> ()
      %dma_start3A = arith.constant 0 : i32
      %dma_start3A_70 = arith.constant 0 : i32
      %dma_start3A_71 = tpu.memref_slice %arg2[%dma_start3A, %dma_start3A_70] : memref<10000x128xf32, #tpu.memory_space<hbm>> -> memref<10000x128xf32, #tpu.memory_space<hbm>>
      tpu.enqueue_indirect_dma source(%dma_start3A_71 : memref<10000x128xf32, #tpu.memory_space<hbm>>) target(%arg15 : memref<64x128xf32, #tpu.memory_space<vmem>>) offsets(%arg7 : memref<64xi32, #tpu.memory_space<vmem>>) semaphore(%arg27 : memref<!tpu.dma_semaphore, #tpu.memory_space<semaphore_mem>>)
      %dma_wait3A = arith.constant 0 : i32
      %dma_wait3A_72 = arith.constant 0 : i32
      %dma_wait3A_73 = tpu.memref_slice %arg2[%dma_wait3A, %dma_wait3A_72] : memref<10000x128xf32, #tpu.memory_space<hbm>> -> memref<10000x128xf32, #tpu.memory_space<hbm>>
      tpu.wait_indirect_dma semaphore(%arg27 : memref<!tpu.dma_semaphore, #tpu.memory_space<semaphore_mem>>) src(%dma_wait3A_73 : memref<10000x128xf32, #tpu.memory_space<hbm>>) dst(%arg15 : memref<64x128xf32, #tpu.memory_space<vmem>>)
      "tpu.region"() ({
        %run_scoped3A = tpu.sem_alloc : memref<!tpu.dma_semaphore, #tpu.memory_space<semaphore_mem>>
        %dma_start3A_74 = arith.constant 0 : i32
        %dma_start3A_75 = arith.constant 0 : i32
        %dma_start3A_76 = tpu.memref_slice %arg6[%dma_start3A_74, %dma_start3A_75] : memref<10240x128xf32, #tpu.memory_space<vmem_shared>> -> memref<10240x128xf32, #tpu.memory_space<vmem_shared>>
        tpu.enqueue_indirect_dma source(%arg15 : memref<64x128xf32, #tpu.memory_space<vmem>>) target(%dma_start3A_76 : memref<10240x128xf32, #tpu.memory_space<vmem_shared>>) offsets(%arg11 : memref<64xi32, #tpu.memory_space<vmem>>) semaphore(%run_scoped3A : memref<!tpu.dma_semaphore, #tpu.memory_space<semaphore_mem>>) {add = true}
        %dma_wait3A_77 = arith.constant 0 : i32
        %dma_wait3A_78 = arith.constant 0 : i32
        %dma_wait3A_79 = tpu.memref_slice %arg6[%dma_wait3A_77, %dma_wait3A_78] : memref<10240x128xf32, #tpu.memory_space<vmem_shared>> -> memref<10240x128xf32, #tpu.memory_space<vmem_shared>>
        tpu.wait_indirect_dma semaphore(%run_scoped3A : memref<!tpu.dma_semaphore, #tpu.memory_space<semaphore_mem>>) src(%arg15 : memref<64x128xf32, #tpu.memory_space<vmem>>) dst(%dma_wait3A_79 : memref<10240x128xf32, #tpu.memory_space<vmem_shared>>)
        tpu.yield
      }) : () -> ()
    } else {
    }
    %barrier3A_56 = arith.constant 0 : index
    tpu.barrier barrier_id(%barrier3A_56)
    %lt3A_57 = arith.constant 15 : i32
    %lt3A_58 = arith.cmpi slt, %arg1, %lt3A_57 : i32
    %convert_element_type3A_59 = arith.extui %lt3A_58 : i1 to i32
    %cond3A_60 = arith.constant 0 : i32
    %cond3A_61 = arith.cmpi ne, %convert_element_type3A_59, %cond3A_60 : i32
    scf.if %cond3A_61 {
      %mul3A_66 = arith.constant 640 : i32
      %mul3A_67 = arith.muli %arg1, %mul3A_66 : i32
      %mul3A_68 = arith.constant 640 : i32
      %mul3A_69 = arith.muli %arg1, %mul3A_68 : i32
      "tpu.region"() ({
        %run_scoped3A = tpu.sem_alloc : memref<!tpu.dma_semaphore, #tpu.memory_space<semaphore_mem>>
        %dma_start3A = arith.constant 0 : i32
        %dma_start3A_70 = tpu.memref_slice %arg5[%arg0, %mul3A_69, %dma_start3A] : memref<2x10000x128xf32, #tpu.memory_space<hbm>> -> memref<1x640x128xf32, #tpu.memory_space<hbm>>
        %dma_start3A_71 = tpu.memref_squeeze %dma_start3A_70 : memref<1x640x128xf32, #tpu.memory_space<hbm>> -> memref<640x128xf32, #tpu.memory_space<hbm>>
        %dma_start3A_72 = arith.constant 0 : i32
        %dma_start3A_73 = tpu.memref_slice %arg6[%mul3A_67, %dma_start3A_72] : memref<10240x128xf32, #tpu.memory_space<vmem_shared>> -> memref<640x128xf32, #tpu.memory_space<vmem_shared>>
        tpu.enqueue_dma source(%dma_start3A_73 : memref<640x128xf32, #tpu.memory_space<vmem_shared>>) target(%dma_start3A_71 : memref<640x128xf32, #tpu.memory_space<hbm>>) target_semaphore(%run_scoped3A : memref<!tpu.dma_semaphore, #tpu.memory_space<semaphore_mem>>)
        %dma_wait3A = arith.constant 0 : i32
        %dma_wait3A_74 = tpu.memref_slice %arg5[%arg0, %mul3A_69, %dma_wait3A] : memref<2x10000x128xf32, #tpu.memory_space<hbm>> -> memref<1x640x128xf32, #tpu.memory_space<hbm>>
        %dma_wait3A_75 = tpu.memref_squeeze %dma_wait3A_74 : memref<1x640x128xf32, #tpu.memory_space<hbm>> -> memref<640x128xf32, #tpu.memory_space<hbm>>
        %dma_wait3A_76 = arith.constant 0 : i32
        %dma_wait3A_77 = tpu.memref_slice %arg6[%mul3A_67, %dma_wait3A_76] : memref<10240x128xf32, #tpu.memory_space<vmem_shared>> -> memref<640x128xf32, #tpu.memory_space<vmem_shared>>
        tpu.wait_dma2 semaphore(%run_scoped3A : memref<!tpu.dma_semaphore, #tpu.memory_space<semaphore_mem>>) src(%dma_wait3A_77 : memref<640x128xf32, #tpu.memory_space<vmem_shared>>) dst(%dma_wait3A_75 : memref<640x128xf32, #tpu.memory_space<hbm>>)
        tpu.yield
      }) : () -> ()
    } else {
    }
    %eq3A = arith.constant 15 : i32
    %eq3A_62 = arith.cmpi eq, %arg1, %eq3A : i32
    %convert_element_type3A_63 = arith.extui %eq3A_62 : i1 to i32
    %cond3A_64 = arith.constant 0 : i32
    %cond3A_65 = arith.cmpi ne, %convert_element_type3A_63, %cond3A_64 : i32
    scf.if %cond3A_65 {
      "tpu.region"() ({
        %run_scoped3A = tpu.sem_alloc : memref<!tpu.dma_semaphore, #tpu.memory_space<semaphore_mem>>
        %dma_start3A = arith.constant 9600 : i32
        %dma_start3A_66 = arith.constant 0 : i32
        %dma_start3A_67 = tpu.memref_slice %arg5[%arg0, %dma_start3A, %dma_start3A_66] : memref<2x10000x128xf32, #tpu.memory_space<hbm>> -> memref<1x400x128xf32, #tpu.memory_space<hbm>>
        %dma_start3A_68 = tpu.memref_squeeze %dma_start3A_67 : memref<1x400x128xf32, #tpu.memory_space<hbm>> -> memref<400x128xf32, #tpu.memory_space<hbm>>
        %dma_start3A_69 = arith.constant 9600 : i32
        %dma_start3A_70 = arith.constant 0 : i32
        %dma_start3A_71 = tpu.memref_slice %arg6[%dma_start3A_69, %dma_start3A_70] : memref<10240x128xf32, #tpu.memory_space<vmem_shared>> -> memref<400x128xf32, #tpu.memory_space<vmem_shared>>
        tpu.enqueue_dma source(%dma_start3A_71 : memref<400x128xf32, #tpu.memory_space<vmem_shared>>) target(%dma_start3A_68 : memref<400x128xf32, #tpu.memory_space<hbm>>) target_semaphore(%run_scoped3A : memref<!tpu.dma_semaphore, #tpu.memory_space<semaphore_mem>>)
        %dma_wait3A = arith.constant 9600 : i32
        %dma_wait3A_72 = arith.constant 0 : i32
        %dma_wait3A_73 = tpu.memref_slice %arg5[%arg0, %dma_wait3A, %dma_wait3A_72] : memref<2x10000x128xf32, #tpu.memory_space<hbm>> -> memref<1x400x128xf32, #tpu.memory_space<hbm>>
        %dma_wait3A_74 = tpu.memref_squeeze %dma_wait3A_73 : memref<1x400x128xf32, #tpu.memory_space<hbm>> -> memref<400x128xf32, #tpu.memory_space<hbm>>
        %dma_wait3A_75 = arith.constant 9600 : i32
        %dma_wait3A_76 = arith.constant 0 : i32
        %dma_wait3A_77 = tpu.memref_slice %arg6[%dma_wait3A_75, %dma_wait3A_76] : memref<10240x128xf32, #tpu.memory_space<vmem_shared>> -> memref<400x128xf32, #tpu.memory_space<vmem_shared>>
        tpu.wait_dma2 semaphore(%run_scoped3A : memref<!tpu.dma_semaphore, #tpu.memory_space<semaphore_mem>>) src(%dma_wait3A_77 : memref<400x128xf32, #tpu.memory_space<vmem_shared>>) dst(%dma_wait3A_74 : memref<400x128xf32, #tpu.memory_space<hbm>>)
        tpu.yield
      }) : () -> ()
    } else {
    }
    return
  }
}

module attributes {stable_mosaic.version = 14 : i64} {
  func.func @_mlp_body(%arg0: memref<10000x128xf32, #tpu.memory_space<vmem>>, %arg1: memref<2x10000x128xf32, #tpu.memory_space<vmem>>, %arg2: memref<128x128xf32, #tpu.memory_space<vmem>>, %arg3: memref<1x128xf32, #tpu.memory_space<vmem>>, %arg4: memref<128x128xf32, #tpu.memory_space<vmem>>, %arg5: memref<1x128xf32, #tpu.memory_space<vmem>>, %arg6: memref<128x128xf32, #tpu.memory_space<vmem>>, %arg7: memref<1x128xf32, #tpu.memory_space<vmem>>, %arg8: memref<1x128xf32, #tpu.memory_space<vmem>>, %arg9: memref<1x1xf32, #tpu.memory_space<vmem>>, %arg10: memref<10000x128xf32, #tpu.memory_space<vmem>>, %arg11: memref<1x10000xf32, #tpu.memory_space<vmem>>) attributes {dimension_semantics = [], scalar_prefetch = 0 : i64, scratch_operands = 0 : i64, tpu.core_type = #tpu.core_type<tc>} {
    %get3A = arith.constant 0 : index
    %get3A_0 = arith.constant 0 : index
    %get3A_1 = vector.load %arg0[%get3A, %get3A_0] : memref<10000x128xf32, #tpu.memory_space<vmem>>, vector<10000x128xf32>
    %get3A_2 = arith.constant 0 : index
    %get3A_3 = arith.constant 0 : index
    %get3A_4 = arith.constant 0 : index
    %get3A_5 = vector.load %arg1[%get3A_2, %get3A_3, %get3A_4] : memref<2x10000x128xf32, #tpu.memory_space<vmem>>, vector<1x10000x128xf32>
    %get3A_6 = vector.shape_cast %get3A_5 : vector<1x10000x128xf32> to vector<10000x128xf32>
    %add3A = arith.addf %get3A_1, %get3A_6 : vector<10000x128xf32>
    %get3A_7 = arith.constant 1 : index
    %get3A_8 = arith.constant 0 : index
    %get3A_9 = arith.constant 0 : index
    %get3A_10 = vector.load %arg1[%get3A_7, %get3A_8, %get3A_9] : memref<2x10000x128xf32, #tpu.memory_space<vmem>>, vector<1x10000x128xf32>
    %get3A_11 = vector.shape_cast %get3A_10 : vector<1x10000x128xf32> to vector<10000x128xf32>
    %add3A_12 = arith.addf %add3A, %get3A_11 : vector<10000x128xf32>
    %get3A_13 = arith.constant 0 : index
    %get3A_14 = arith.constant 0 : index
    %get3A_15 = vector.load %arg2[%get3A_13, %get3A_14] : memref<128x128xf32, #tpu.memory_space<vmem>>, vector<128x128xf32>
    %dot_general3A = arith.constant dense<0.000000e+00> : vector<10000x128xf32>
    %dot_general3A_16 = tpu.matmul %add3A_12, %get3A_15, %dot_general3A {dimension_numbers = #tpu.dot_dimension_numbers<[1], [1], [0], [0], [0, 0, 1, 0], [], []>, transpose_lhs_hint = false} : vector<10000x128xf32>, vector<128x128xf32>, vector<10000x128xf32> -> vector<10000x128xf32>
    %get3A_17 = arith.constant 0 : index
    %get3A_18 = arith.constant 0 : index
    %get3A_19 = vector.load %arg3[%get3A_17, %get3A_18] : memref<1x128xf32, #tpu.memory_space<vmem>>, vector<1x128xf32>
    %add3A_20 = vector.broadcast %get3A_19 : vector<1x128xf32> to vector<10000x128xf32>
    %add3A_21 = arith.addf %dot_general3A_16, %add3A_20 : vector<10000x128xf32>
    %max3A = arith.constant 0.000000e+00 : f32
    %max3A_22 = vector.broadcast %max3A : f32 to vector<10000x128xf32>
    %max3A_23 = arith.maximumf %add3A_21, %max3A_22 : vector<10000x128xf32>
    %get3A_24 = arith.constant 0 : index
    %get3A_25 = arith.constant 0 : index
    %get3A_26 = vector.load %arg4[%get3A_24, %get3A_25] : memref<128x128xf32, #tpu.memory_space<vmem>>, vector<128x128xf32>
    %dot_general3A_27 = arith.constant dense<0.000000e+00> : vector<10000x128xf32>
    %dot_general3A_28 = tpu.matmul %max3A_23, %get3A_26, %dot_general3A_27 {dimension_numbers = #tpu.dot_dimension_numbers<[1], [1], [0], [0], [0, 0, 1, 0], [], []>, transpose_lhs_hint = false} : vector<10000x128xf32>, vector<128x128xf32>, vector<10000x128xf32> -> vector<10000x128xf32>
    %get3A_29 = arith.constant 0 : index
    %get3A_30 = arith.constant 0 : index
    %get3A_31 = vector.load %arg5[%get3A_29, %get3A_30] : memref<1x128xf32, #tpu.memory_space<vmem>>, vector<1x128xf32>
    %add3A_32 = vector.broadcast %get3A_31 : vector<1x128xf32> to vector<10000x128xf32>
    %add3A_33 = arith.addf %dot_general3A_28, %add3A_32 : vector<10000x128xf32>
    %swap3A = arith.constant 0 : index
    %swap3A_34 = arith.constant 0 : index
    %swap3A_35 = vector.load %arg10[%swap3A, %swap3A_34] : memref<10000x128xf32, #tpu.memory_space<vmem>>, vector<10000x128xf32>
    tpu.vector_store %arg10[%swap3A, %swap3A_34], %add3A_33 {strides = array<i32>} : memref<10000x128xf32, #tpu.memory_space<vmem>>, vector<10000x128xf32>,
    %get3A_36 = arith.constant 0 : index
    %get3A_37 = arith.constant 0 : index
    %get3A_38 = vector.load %arg6[%get3A_36, %get3A_37] : memref<128x128xf32, #tpu.memory_space<vmem>>, vector<128x128xf32>
    %dot_general3A_39 = arith.constant dense<0.000000e+00> : vector<10000x128xf32>
    %dot_general3A_40 = tpu.matmul %add3A_33, %get3A_38, %dot_general3A_39 {dimension_numbers = #tpu.dot_dimension_numbers<[1], [1], [0], [0], [0, 0, 1, 0], [], []>, transpose_lhs_hint = false} : vector<10000x128xf32>, vector<128x128xf32>, vector<10000x128xf32> -> vector<10000x128xf32>
    %get3A_41 = arith.constant 0 : index
    %get3A_42 = arith.constant 0 : index
    %get3A_43 = vector.load %arg7[%get3A_41, %get3A_42] : memref<1x128xf32, #tpu.memory_space<vmem>>, vector<1x128xf32>
    %add3A_44 = vector.broadcast %get3A_43 : vector<1x128xf32> to vector<10000x128xf32>
    %add3A_45 = arith.addf %dot_general3A_40, %add3A_44 : vector<10000x128xf32>
    %tanh3A = math.tanh %add3A_45 : vector<10000x128xf32>
    %get3A_46 = arith.constant 0 : index
    %get3A_47 = arith.constant 0 : index
    %get3A_48 = vector.load %arg8[%get3A_46, %get3A_47] : memref<1x128xf32, #tpu.memory_space<vmem>>, vector<1x128xf32>
    %dot_general3A_49 = arith.constant dense<0.000000e+00> : vector<1x10000xf32>
    %dot_general3A_50 = tpu.matmul %get3A_48, %tanh3A, %dot_general3A_49 {dimension_numbers = #tpu.dot_dimension_numbers<[1], [1], [0], [0], [0, 0, 1, 0], [], []>, transpose_lhs_hint = false} : vector<1x128xf32>, vector<10000x128xf32>, vector<1x10000xf32> -> vector<1x10000xf32>
    %reduce_max3A = vector.shape_cast %dot_general3A_50 : vector<1x10000xf32> to vector<1x1x10000xf32>
    %reduce_max3A_51 = arith.constant dense<0xFF800000> : vector<1xf32>
    %reduce_max3A_52 = vector.multi_reduction <maximumf>, %reduce_max3A, %reduce_max3A_51 [1, 2] : vector<1x1x10000xf32> to vector<1xf32>
    %reduce_max3A_53 = vector.shape_cast %reduce_max3A_52 : vector<1xf32> to vector<1x1x1xf32>
    %reduce_max3A_54 = vector.extract %reduce_max3A_53[0, 0, 0] : f32 from vector<1x1x1xf32>
    %sub3A = vector.broadcast %reduce_max3A_54 : f32 to vector<1x10000xf32>
    %sub3A_55 = arith.subf %dot_general3A_50, %sub3A : vector<1x10000xf32>
    %exp3A = math.exp %sub3A_55 : vector<1x10000xf32>
    %reduce_sum3A = vector.shape_cast %exp3A : vector<1x10000xf32> to vector<1x1x10000xf32>
    %reduce_sum3A_56 = arith.constant dense<0.000000e+00> : vector<1xf32>
    %reduce_sum3A_57 = vector.multi_reduction <add>, %reduce_sum3A, %reduce_sum3A_56 [1, 2] : vector<1x1x10000xf32> to vector<1xf32>
    %reduce_sum3A_58 = vector.shape_cast %reduce_sum3A_57 : vector<1xf32> to vector<1x1x1xf32>
    %reduce_sum3A_59 = vector.extract %reduce_sum3A_58[0, 0, 0] : f32 from vector<1x1x1xf32>
    %div3A = vector.broadcast %reduce_sum3A_59 : f32 to vector<1x10000xf32>
    %div3A_60 = arith.divf %exp3A, %div3A : vector<1x10000xf32>
    %swap3A_61 = arith.constant 0 : index
    %swap3A_62 = arith.constant 0 : index
    %swap3A_63 = vector.load %arg11[%swap3A_61, %swap3A_62] : memref<1x10000xf32, #tpu.memory_space<vmem>>, vector<1x10000xf32>
    tpu.vector_store %arg11[%swap3A_61, %swap3A_62], %div3A_60 {strides = array<i32>} : memref<1x10000xf32, #tpu.memory_space<vmem>>, vector<1x10000xf32>,
    return
  }
}

</mosaic_0001>

<sc_bundles>
// kernel: kernel.4.cloned.1.call-start
scs
__scs_entry_jumppad:
0x0: {  	(pc) =	sbr.rel $0x88, $3  }
0x1: {  	(tag) =	ssettag $0x0;
	lr =	simm.s32 $0x1  }
0x2: {  	[smem:$0x3F97] =	sst lr;
	_ =	strace $0xD0000000  }
0x3: {  	_ = 	snop  }
0x4: {  	_ = 	snop  }
0x5: {  	_ = 	snop  }
0x6: {  	_ = 	snop  }
0x7: {  	_ = 	snop  }
__scs_overlays_trampoline_lowered:
0x8: {  	[smem:$0x3FA6] =	sst s0  }
0x9: {  	[smem:$0x3FA7] =	sst s1  }
0xa: {  	[smem:$0x3FA8] =	sst s2  }
0xb: {  	[smem:$0x3FA9] =	sst s3  }
0xc: {  	[smem:$0x3FAA] =	sst s4  }
0xd: {  	[smem:$0x3FAB] =	sst s5  }
0xe: {  	[smem:$0x3FAC] =	sst s6  }
0xf: {  	[smem:$0x3FAD] =	sst s7  }
0x10: {  	[smem:$0x3FAE] =	sst s8  }
0x11: {  	[smem:$0x3FAF] =	sst s9;
	s0 =	simm.s32 @!p0 $0x0  }
0x12: {  	s1 =	sld [smem:$0x3F95];
	s0 =	simm.s32 @p0 $0x1  }
0x13: {  	[smem:$0x3FB0] =	sst s0;
	s0 =	simm.s32 @!p1 $0x0  }
0x14: {  	s2 =	sld [smem:$0x3F94];
	s0 =	simm.s32 @p1 $0x1  }
0x15: {  	[smem:$0x3FB1] =	sst s0;
	s0 =	simm.s32 @!p2 $0x0  }
0x16: {  	s3 =	sld [smem:$0x3FDB];
	s0 =	simm.s32 @p2 $0x1  }
0x17: {  	s4 =	simm.s32 $0x1BF5;
	[smem:$0x3FB3] =	sst s0  }
0x18: {  	s0 =	sld [smem:$0x3F96];
	_ =	swait.ge [sflag:s4], $0x0  }
0x19: {  	s7 =	sld [smem:$0x3F97]  }
0x1a: {  	s8 =	sadd.s32 $0xFFFFE003, lr  }
0x1b: {  	s9 =	sadd.s32 $0xFFFFFEF7, lr;
	s5 =	simm.s32 $0xFFFFFFFF;
	p2 =	slt.u32 s8, $0xFFFFF086  }
0x1c: {  	p1 =	slt.u32 s9, $0xF7A;
	s5 =	simm.s32 @!p2 $0x0  }
0x1d: {  	s5 =	simm.s32 @p1 $0x1;
	p0 =	seq.s32 s7, s2  }
0x1e: {  	s7 =	smul.u32 @!p0 $0xF7A, s2;
	p2 =	seq.s32 @!p0 s5, $0x0  }
0x1f: {  	s9 =	smul.u32 $0xF7A, s1;
	s8 =	simm.s32 @!p0 $0x1BF5;
	p2 =	por !p2, p0  }
0x20: {  	[sflag:s8] =	ssyncset.s32 @!p0 $0xFFFFF086;
	s6 =	sadd.s32 @!p0 s3, s7;
	s7 =	simm.s32 @!p0 $0x108  }
0x21: {  	s3 =	sadd.s32 s3, s9;
	s6 =	sadd.s32 @!p0 $0x88, s6;
	s7 =	simm.s32 @p2 $0x1082  }
0x22: {  	[simem:s7], [sflag:s8] =	dma.local @!p0 [hbm:s6], $0xF7A  }
0x23: {  	s9 =	sor.u32 $0xD0000000, s2;
	s6 =	simm.s32 $0x108;
	_ =	swait.ge @!p0 [sflag:s8], $0x0  }
0x24: {  	s3 =	sadd.s32 $0x88, s3;
	s6 =	simm.s32 @!p1 $0x1082;
	[sflag:s4] =	ssyncset.s32 $0xFFFFF086  }
0x25: {  	[simem:s6], [sflag:s4] =	dma.local [hbm:s3], $0xF7A  }
0x26: {  	[smem:$0x3F97] =	sst s1;
	(tag) =	ssettag s2;
	_ =	strace s9  }
0x27: {  	s1 =	sld [smem:$0x3FA7]  }
0x28: {  	s2 =	sld [smem:$0x3FA8]  }
0x29: {  	s4 =	sld [smem:$0x3FAA]  }
0x2a: {  	p0 =	seq.s32 s5, $0x0;
	s5 =	sld [smem:$0x3FAB]  }
0x2b: {  	s6 =	sld [smem:$0x3FAC]  }
0x2c: {  	s7 =	sld [smem:$0x3FAD]  }
0x2d: {  	s3 =	simm.s32 $0x108;
	s8 =	sld [smem:$0x3FAE]  }
0x2e: {  	s3 =	simm.s32 @!p0 $0x1082;
	s9 =	sld [smem:$0x3FAF]  }
0x2f: {  	lr =	sadd.s32 s0, s3;
	s0 =	sld [smem:$0x3FA6]  }
0x30: {  	s3 =	sld [smem:$0x3FA9]  }
0x31: {  	[smem:$0x3FB2] =	sst s10  }
0x32: {  	s10 =	sld [smem:$0x3FB0];
	_ =	sdelay $0x3  }
0x33: {  	p0 =	seq.s32 s10, $0x1;
	s10 =	sld [smem:$0x3FB2];
	_ =	sdelay $0x3  }
0x34: {  	[smem:$0x3FB2] =	sst s10  }
0x35: {  	s10 =	sld [smem:$0x3FB1];
	_ =	sdelay $0x3  }
0x36: {  	p1 =	seq.s32 s10, $0x1;
	s10 =	sld [smem:$0x3FB2];
	_ =	sdelay $0x3  }
0x37: {  	[smem:$0x3FB2] =	sst s10  }
0x38: {  	s10 =	sld [smem:$0x3FB3]  }
0x39: {  	_ = 	snop;
	(pc) =	sbr.ind lr, $3  }
0x3a: {  	_ = 	snop  }
0x3b: {  	_ = 	snop  }
0x3c: {  	p2 =	seq.s32 s10, $0x1;
	s10 =	sld [smem:$0x3FB2]  }
0x3d: {  	_ =	shalt  }
0x3e: {  	_ =	shalt  }
0x3f: {  	_ =	shalt  }
0x40: {  	_ =	shalt  }
0x41: {  	_ =	shalt  }
0x42: {  	_ =	shalt  }
0x43: {  	_ =	shalt  }
0x44: {  	_ =	shalt  }
0x45: {  	_ =	shalt  }
0x46: {  	_ =	shalt  }
0x47: {  	_ =	shalt  }
0x48: {  	_ =	shalt  }
0x49: {  	_ =	shalt  }
0x4a: {  	_ =	shalt  }
0x4b: {  	_ =	shalt  }
0x4c: {  	_ =	shalt  }
0x4d: {  	_ =	shalt  }
0x4e: {  	_ =	shalt  }
0x4f: {  	_ =	shalt  }
0x50: {  	_ =	shalt  }
0x51: {  	_ =	shalt  }
0x52: {  	_ =	shalt  }
0x53: {  	_ =	shalt  }
0x54: {  	_ =	shalt  }
0x55: {  	_ =	shalt  }
0x56: {  	_ =	shalt  }
0x57: {  	_ =	shalt  }
0x58: {  	_ =	shalt  }
0x59: {  	_ =	shalt  }
0x5a: {  	_ =	shalt  }
0x5b: {  	_ =	shalt  }
0x5c: {  	_ =	shalt  }
0x5d: {  	_ =	shalt  }
0x5e: {  	_ =	shalt  }
0x5f: {  	_ =	shalt  }
0x60: {  	_ =	shalt  }
0x61: {  	_ =	shalt  }
0x62: {  	_ =	shalt  }
0x63: {  	_ =	shalt  }
0x64: {  	_ =	shalt  }
0x65: {  	_ =	shalt  }
0x66: {  	_ =	shalt  }
0x67: {  	_ =	shalt  }
0x68: {  	_ =	shalt  }
0x69: {  	_ =	shalt  }
0x6a: {  	_ =	shalt  }
0x6b: {  	_ =	shalt  }
0x6c: {  	_ =	shalt  }
0x6d: {  	_ =	shalt  }
0x6e: {  	_ =	shalt  }
0x6f: {  	_ =	shalt  }
0x70: {  	_ =	shalt  }
0x71: {  	_ =	shalt  }
0x72: {  	_ =	shalt  }
0x73: {  	_ =	shalt  }
0x74: {  	_ =	shalt  }
0x75: {  	_ =	shalt  }
0x76: {  	_ =	shalt  }
0x77: {  	_ =	shalt  }
0x78: {  	_ =	shalt  }
0x79: {  	_ =	shalt  }
0x7a: {  	_ =	shalt  }
0x7b: {  	_ =	shalt  }
0x7c: {  	_ =	shalt  }
0x7d: {  	_ =	shalt  }
0x7e: {  	_ =	shalt  }
0x7f: {  	_ =	shalt  }
0x80: {  	_ =	shalt  }
0x81: {  	_ =	shalt  }
0x82: {  	_ =	shalt  }
0x83: {  	_ =	shalt  }
0x84: {  	_ =	shalt  }
0x85: {  	_ =	shalt  }
0x86: {  	_ =	shalt  }
0x87: {  	_ =	shalt  }
.Lfunc_end0:
.L_simem_size_0:
called_computation_lowered:
.L_overlay_start_0:
0x88: {  	s2 =	sld [smem:$0x3FD9]  }
0x89: {  	s3 =	sld [smem:$0x3FFE];
	_ =	sdelay $0x1  }
0x8a: {  	s1 =	srdreg.scid  }
0x8b: {  	s0 =	sand.u32 $0x1, s1  }
0x8c: {  	s14 =	sshll.u32 s0, $0xA;
	s2 =	sadd.s32 s3, s2  }
0x8d: {  	s2 =	sadd.s32 s2, s14  }
0x8e: {  	[smem:$0x3FBE] =	sst s2  }
0x8f: {  	_ = 	snop  }
0x90: {  	s2 =	sld [smem:$0x3FD0];
	_ =	sdelay $0x2  }
0x91: {  	s4 =	simm.s32 $0xA;
	s5 =	simm.s32 $0x10;
	s15 =	sld [smem:$0x3FC9]  }
0x92: {  	[smem:s5], [sflag:s4] =	dma.local [hbm:s2], $0x1  }
0x93: {  	_ =	swait.eq [sflag:s4], $0x1  }
0x94: {  	[sflag:s4] =	ssyncset.done $0x0  }
0x95: {  	[sflag:s4] =	ssyncadd.s32 $0xFFFFFFFF  }
0x96: {  	s16 =	sld [smem:$0x10];
	(tm) =	ssettm $0x1  }
0x97: {  	s17 =	sld [smem:$0x3FFB];
	_ =	sdelay $0x3  }
0x98: {  	_ =	strace s17  }
0x99: {  	s4 =	sld [smem:$0x3FFC];
	_ =	sdelay $0x3  }
0x9a: {  	_ =	strace s4  }
0x9b: {  	s4 =	sld [smem:$0x3FFD];
	_ =	sdelay $0x3  }
0x9c: {  	_ =	strace s4  }
0x9d: {  	_ =	strace $0x8FFFFFFF  }
0x9e: {  	s18 =	sld [smem:$0x3FDB];
	_ =	sdelay $0x1  }
0x9f: {  	s19 =	simm.s32 $_scs_section_size  }
0xa0: {  	s6 =	simm.s32 $_size__tile_overlayer_lowered;
	s7 =	simm.s32 $_tile_overlayer_lowered  }
0xa1: {  	s22 =	simm.s32 $0x1BFF;
	s21 =	sshll.u32 s7, $0x1;
	s4 =	sadd.s32 s19, s18  }
0xa2: {  	s8 =	simm.s32 $0x0;
	s20 =	sshll.u32 s6, $0x1;
	s6 =	sadd.s32 s21, s4  }
0xa3: {  	[timem:s8], [sflag:s22] =	dma.local [hbm:s6], s20  }
0xa4: {  	_ =	swait.ge [sflag:s22], s20  }
0xa5: {  	s5 =	ssub.s32 $0x0, s20;
	[sflag:s22] =	ssyncset.done $0x0  }
0xa6: {  	[sflag:s22] =	ssyncadd.s32 s5;
	_ =	sdelay $0x1  }
0xa7: {  	s23 =	simm.s32 $0x1B8B  }
0xa8: {  	_ =	swait.ge [sflag:s23], $0x1  }
0xa9: {  	[sflag:s23] =	ssyncset.done $0x0  }
0xaa: {  	s25 =	simm.s32 $0x1B8E;
	s24 =	sld [smem:$0x3FFE];
	[sflag:s23] =	ssyncadd.s32 $0xFFFFFFFF  }
0xab: {  	s26 =	simm.s32 $execute0_lowered;
	[smem:$0x3FD2] =	sst s25  }
0xac: {  	s6 =	sshll.u32 s26, $0x1;
	_ =	strace $0x80000046;
	[dreg:$0x1] =	wrdreg $0xFFFFFFFF  }
0xad: {  	s28 =	simm.s32 $_size_execute0_lowered;
	s4 =	sadd.s32 s4, s6;
	[dreg:$0x0] =	wrdreg $0x0  }
0xae: {  	s6 =	sshll.u32 s28, $0x1;
	[dreg:$0x2] =	wrdreg s4  }
0xaf: {  	[dreg:$0x3] =	wrdreg s6  }
0xb0: {  	[dreg:$0x4] =	wrdreg $0xC0  }
0xb1: {  	_ =	task [dreg:s8], $0x5FFFF  }
0xb2: {  	[dreg:$0x1] =	wrdreg $0xFFFFFFFF  }
0xb3: {  	[dreg:$0x0] =	wrdreg $0x60  }
0xb4: {  	[dreg:$0x2] =	wrdreg s15  }
0xb5: {  	[dreg:$0x3] =	wrdreg s24  }
0xb6: {  	[dreg:$0x4] =	wrdreg s16  }
0xb7: {  	[dreg:$0x5] =	wrdreg $0x0  }
0xb8: {  	[dreg:$0x6] =	wrdreg $0x9  }
0xb9: {  	_ =	task.clear_ibuf [dreg:s8], $0x7FFFF;
	_ =	strace $0x90000046  }
0xba: {  	s29 =	simm.s32 $0x9;
	_ =	strace $0x80000048  }
0xbb: {  	_ =	swait.ge [sflag:s29], $0x1  }
0xbc: {  	[sflag:s29] =	ssyncadd.s32 $0xFFFFFFFF  }
0xbd: {  	_ =	strace $0x90000048  }
0xbe: {  	_ =	sfence  }
0xbf: {  	s30 =	sld [smem:$0x0];
	_ =	sdelay $0x2  }
0xc0: {  	s31 =	sshll.u32 s1, $0xD;
	s1 =	sshrl.u32 s1, $0x2  }
0xc1: {  	s3 =	sand.u32 $0x4000, s31;
	s1 =	sadd.s32 s1, s30  }
0xc2: {  	s0 =	sor.u32 s3, s0;
	s1 =	sshll.u32 s1, $0x11  }
0xc3: {  	s0 =	sor.u32 s1, s0  }
0xc4: {  	s0 =	sadd.s32 $0x8F2B, s0  }
0xc5: {  	[sflag:s0] =	ssyncadd.remote.s32 $0x1  }
0xc6: {  	_ =	sfence.sel $0xFFFF  }
0xc7: {  	[dreg:$0x0] =	wrdreg $0xFFFFFFFF;
	(pc) =	sbr.abs _section_cstart, $3  }
0xc8: {  	[dreg:$0x1] =	wrdreg $0xFFFFFFFF  }
0xc9: {  	_ =	task.clear_ibuf [dreg:s8], $0x2FFFF;
	_ =	strace $0x9FFFFFFF  }
0xca: {  	(tm) =	ssettm $0x7FFFFFFF  }
0xcb: {  	_ =	shalt  }
tec
execute0_lowered:
.L_overlay_start_1:
0x0: {  	(tag) =	ssettag $0x1  }
0x1: {  	s1 =	rddreg [dreg:$0x0]  }
0x2: {  	s0 =	rddreg [dreg:$0x1]  }
0x3: {  	s2 =	rddreg [dreg:$0x2]  }
0x4: {  	s17 =	rddreg [dreg:$0x3];
	s4 =	simm.s32 $0x0  }
0x5: {  	s5 =	srdreg.scid;
	s13 =	stileid.u32;
	s28 =	simm.s32 $0x11  }
0x6: {  	s29 =	simm.s32 $0x14200;
	s30 =	simm.s32 $0xF;
	[smem:$0x7FF] =	sst s4  }
0x7: {  	s5 =	sand.u32 $0x1, s5;
	s6 =	smul.u32 $0x50000, s13;
	s8 =	sadd.s32 $0x1000, s0  }
0x8: {  	s0 =	sadd.s32 $0xAE00, s0;
	s19 =	sshll.u32 s13, $0x4;
	s12 =	smul.u32 $0x14000, s13  }
0x9: {  	s21 =	sadd.s32 $0x12C000, s17;
	p0 =	sgt.u32 s13, $0x3;
	s6 =	sshrl.u32 s6, $0x2  }
0xa: {  	p1 =	seq.s32 s13, $0xF;
	s13 =	simm.s32 $0xA;
	s14 =	sadd.s32 s6, s17  }
0xb: {  	_ =	strace $0x80000047;
	s6 =	sadd.s32 $0x2000, s14;
	[dreg:$0x7] =	wrdreg s14  }
0xc: {  	s7 =	ssub.s32 $0x2, s5;
	s24 =	sadd.s32 $0x4000, s14;
	[dreg:$0x8] =	wrdreg s6  }
0xd: {  	s3 =	smul.u32 $0x138800, s5;
	s25 =	sadd.s32 $0x6000, s14;
	[dreg:$0x9] =	wrdreg s24  }
0xe: {  	s5 =	sshll.u32 s5, $0x3;
	s26 =	sadd.s32 $0x8000, s14;
	[dreg:$0xa] =	wrdreg s25  }
0xf: {  	s9 =	sshrl.u32 s7, $0x1;
	s31 =	sadd.s32 $0xA000, s14;
	[dreg:$0xb] =	wrdreg s26  }
0x10: {  	s11 =	sor.u32 s5, s19;
	s15 =	sadd.s32 $0xC000, s14;
	[dreg:$0xc] =	wrdreg s31  }
0x11: {  	s7 =	ssub.s32 s7, s9;
	s16 =	sadd.s32 $0xE000, s14;
	[dreg:$0xd] =	wrdreg s15  }
0x12: {  	s10 =	sshrl.u32 s3, $0x3;
	s18 =	sadd.s32 $0x10000, s14;
	[dreg:$0xe] =	wrdreg s16  }
0x13: {  	s20 =	sor.u32 $0x9C00, s11;
	s14 =	sadd.s32 $0x12000, s14;
	[dreg:$0xf] =	wrdreg s18  }
0x14: {  	s10 =	sadd.s32 s0, s10;
	s22 =	sadd.s32 s8, s20;
	[dreg:$0x10] =	wrdreg s14  }
0x15: {  	s10 =	sadd.s32 $0x25800, s10;
	s6 =	sadd.s32 s12, s3;
	[dreg:$0x12] =	wrdreg s22  }
0x16: {  	s24 =	sadd.s32 s19, s8;
	s25 =	smax.u32 s7, $0x1;
	s31 =	sshrl.u32 s21, $0x3  }
0x17: {  	s15 =	simm.s32 $0x40;
	s12 =	simm.s32 $0x5;
	s14 =	simm.s32 $0x6  }
0x18: {  	s21 =	simm.s32 $0xC;
	s22 =	simm.s32 $0x8;
	[dreg:$0x11] =	wrdreg s10  }
0x19: {  	s10 =	sadd.s32 s2, s20;
	s6 =	sshrl.u32 s6, $0x3;
	[dreg:$0x15] =	wrdreg s25  }
.Ltmp0:
0x1a: {  	s2 =	sadd.s32 s19, s2;
	[dreg:$0x16] =	wrdreg s31;
	(pc) =	sbr.rel .LBB2_1-.Ltmp0, $4  }
0x1b: {  	s26 =	sadd.s32 s5, s24;
	s24 =	simm.s32 $0x14000;
	[dreg:$0x13] =	wrdreg s10  }
0x1c: {  	s25 =	simm.s32 $0x1;
	s0 =	sadd.s32 s0, s6;
	[dreg:$0x6] =	wrdreg s26  }
0x1d: {  	s19 =	simm.s32 $0xB;
	s23 =	sadd.s32 s5, s2;
	[dreg:$0x14] =	wrdreg s0  }
0x1e: {  	v0 =	vimm.f32 $0.0e+00;
	s26 =	simm.s32 $0x14400;
	[dreg:$0x5] =	wrdreg s23;
	s0 =	simm.s32 $0x0  }
.LBB2_9:
0x1f: {  	s20 =	rddreg [dreg:$0x11]  }
0x20: {  	s23 =	rddreg [dreg:$0x16];
	s0 =	simm.s32 $0x1FD1  }
0x21: {  	[hbm:s20], [sflag:s0] =	dma.local [spmem:s23], $0x1900  }
0x22: {  	_ =	swait.ge [sflag:s28], $0x1900  }
0x23: {  	[sflag:s28] =	ssyncset.done $0x0  }
0x24: {  	s0 =	rddreg [dreg:$0x17];
	[sflag:s28] =	ssyncadd.s32 $0xFFFFE700  }
.LBB2_10:
0x25: {  	s0 =	sadd.s32 $0x1, s0;
	s20 =	rddreg [dreg:$0x15]  }
0x26: {  	p2 =	sne.s32 s0, s20  }
.Ltmp1:
0x27: {  	_ = 	snop;
	(pc) =	sbr.rel @!p2 .LBB2_11-.Ltmp1, $1  }
0x28: {  	_ =	sdelay $0x3  }
.LBB2_1:
0x29: {  	[dreg:$0x17] =	wrdreg s0;
	s20 =	simm.s32 $0x0;
	s23 =	simm.s32 $0x200  }
.LBB2_2:
0x2a: {  	p2 =	sne.s32 s23, $0x7E00;
	[tilespmem:s20+$0x14470] =	vst v0  }
0x2b: {  	[tilespmem:s20+$0x14400] =	vst v0  }
0x2c: {  	[tilespmem:s20+$0x14410] =	vst v0  }
.Ltmp2:
0x2d: {  	[tilespmem:s20+$0x14420] =	vst v0;
	(pc) =	sbr.rel @p2 .LBB2_2-.Ltmp2, $4  }
0x2e: {  	[tilespmem:s20+$0x14430] =	vst v0  }
0x2f: {  	[tilespmem:s20+$0x14440] =	vst v0  }
0x30: {  	[tilespmem:s20+$0x14450] =	vst v0  }
0x31: {  	[tilespmem:s20+$0x14460] =	vst v0;
	s20 =	sshra.s32 s23, $0x2;
	s23 =	sadd.s32 $0x200, s23  }
0x32: {  	[tilespmem:s20+$0x14470] =	vst v0  }
0x33: {  	[tilespmem:s20+$0x14400] =	vst v0  }
0x34: {  	[tilespmem:s20+$0x14410] =	vst v0  }
0x35: {  	[tilespmem:s20+$0x14420] =	vst v0  }
0x36: {  	[tilespmem:s20+$0x14430] =	vst v0  }
0x37: {  	[tilespmem:s20+$0x14440] =	vst v0  }
0x38: {  	[tilespmem:s20+$0x14450] =	vst v0  }
0x39: {  	[tilespmem:s20+$0x14460] =	vst v0;
	s18 =	rddreg [dreg:$0x7]  }
0x3a: {  	[spmem:s18] =	stream.linear.scatter [tilespmem:s26], [sflag:$0x11], $0x2000, $0x38;
	[tilespmem:$0x1C400] =	vst v63  }
0x3b: {  	_ =	swait.ge [sflag:s28], $0x2000  }
0x3c: {  	[sflag:s28] =	ssyncset.done $0x0  }
0x3d: {  	s23 =	rddreg [dreg:$0x8];
	[sflag:s28] =	ssyncadd.s32 $0xFFFFE000  }
0x3e: {  	[spmem:s23] =	stream.linear.scatter [tilespmem:s26], [sflag:$0x11], $0x2000, $0x38;
	[tilespmem:$0x1C400] =	vst v63  }
0x3f: {  	_ =	swait.ge [sflag:s28], $0x2000  }
0x40: {  	[sflag:s28] =	ssyncset.done $0x0  }
0x41: {  	s31 =	rddreg [dreg:$0x9];
	[sflag:s28] =	ssyncadd.s32 $0xFFFFE000  }
0x42: {  	[spmem:s31] =	stream.linear.scatter [tilespmem:s26], [sflag:$0x11], $0x2000, $0x38;
	[tilespmem:$0x1C400] =	vst v63  }
0x43: {  	_ =	swait.ge [sflag:s28], $0x2000  }
0x44: {  	[sflag:s28] =	ssyncset.done $0x0  }
0x45: {  	s0 =	rddreg [dreg:$0xa];
	[sflag:s28] =	ssyncadd.s32 $0xFFFFE000  }
0x46: {  	[spmem:s0] =	stream.linear.scatter [tilespmem:s26], [sflag:$0x11], $0x2000, $0x38;
	[tilespmem:$0x1C400] =	vst v63  }
0x47: {  	_ =	swait.ge [sflag:s28], $0x2000  }
0x48: {  	[sflag:s28] =	ssyncset.done $0x0  }
0x49: {  	s2 =	rddreg [dreg:$0xb];
	[sflag:s28] =	ssyncadd.s32 $0xFFFFE000  }
0x4a: {  	[spmem:s2] =	stream.linear.scatter [tilespmem:s26], [sflag:$0x11], $0x2000, $0x38;
	[tilespmem:$0x1C400] =	vst v63  }
0x4b: {  	_ =	swait.ge [sflag:s28], $0x2000  }
0x4c: {  	[sflag:s28] =	ssyncset.done $0x0  }
0x4d: {  	s3 =	rddreg [dreg:$0xc];
	[sflag:s28] =	ssyncadd.s32 $0xFFFFE000  }
0x4e: {  	[spmem:s3] =	stream.linear.scatter [tilespmem:s26], [sflag:$0x11], $0x2000, $0x38;
	[tilespmem:$0x1C400] =	vst v63  }
0x4f: {  	_ =	swait.ge [sflag:s28], $0x2000  }
0x50: {  	[sflag:s28] =	ssyncset.done $0x0  }
0x51: {  	s5 =	rddreg [dreg:$0xd];
	[sflag:s28] =	ssyncadd.s32 $0xFFFFE000  }
0x52: {  	[spmem:s5] =	stream.linear.scatter [tilespmem:s26], [sflag:$0x11], $0x2000, $0x38;
	[tilespmem:$0x1C400] =	vst v63  }
0x53: {  	_ =	swait.ge [sflag:s28], $0x2000  }
0x54: {  	[sflag:s28] =	ssyncset.done $0x0  }
0x55: {  	s6 =	rddreg [dreg:$0xe];
	[sflag:s28] =	ssyncadd.s32 $0xFFFFE000  }
0x56: {  	[spmem:s6] =	stream.linear.scatter [tilespmem:s26], [sflag:$0x11], $0x2000, $0x38;
	[tilespmem:$0x1C400] =	vst v63  }
0x57: {  	_ =	swait.ge [sflag:s28], $0x2000  }
0x58: {  	[sflag:s28] =	ssyncset.done $0x0  }
0x59: {  	s7 =	rddreg [dreg:$0xf];
	[sflag:s28] =	ssyncadd.s32 $0xFFFFE000  }
0x5a: {  	[spmem:s7] =	stream.linear.scatter [tilespmem:s26], [sflag:$0x11], $0x2000, $0x38;
	[tilespmem:$0x1C400] =	vst v63  }
0x5b: {  	_ =	swait.ge [sflag:s28], $0x2000  }
0x5c: {  	[sflag:s28] =	ssyncset.done $0x0  }
0x5d: {  	s8 =	rddreg [dreg:$0x10];
	[sflag:s28] =	ssyncadd.s32 $0xFFFFE000  }
0x5e: {  	[spmem:s8] =	stream.linear.scatter [tilespmem:s26], [sflag:$0x11], $0x2000, $0x38;
	[tilespmem:$0x1C400] =	vst v63  }
0x5f: {  	_ =	swait.ge [sflag:s28], $0x2000  }
0x60: {  	[sflag:s28] =	ssyncset.done $0x0  }
0x61: {  	[sflag:s28] =	ssyncadd.s32 $0xFFFFE000  }
0x62: {  	[bflag:$0x0] =	sbarrier.arrive $0xFFFF  }
0x63: {  	s9 =	rddreg [dreg:$0x6]  }
0x64: {  	s23 =	rddreg [dreg:$0x5];
	s20 =	sadd.s32 $0x0, s9  }
0x65: {  	[tilespmem:s24], [sflag:$0x1] =	stream.linear.gather [hbm4b:s20+s4], $0x40, $0x38;
	[tilespmem:$0x1C400] =	vst v63  }
0x66: {  	s23 =	sadd.s32 $0x0, s23  }
0x67: {  	[tilespmem:s29], [sflag:$0x5] =	stream.linear.gather [hbm4b:s23+s4], $0x40, $0x38;
	[tilespmem:$0x1C400] =	vst v63  }
0x68: {  	s6 =	simm.s32 $0x14080;
	s10 =	sadd.s32 $0x100, s20  }
0x69: {  	[tilespmem:s6], [sflag:$0x2] =	stream.linear.gather [hbm4b:s10+s4], $0x40, $0x38;
	[tilespmem:$0x1C400] =	vst v63  }
0x6a: {  	s5 =	simm.s32 $0x14280;
	s11 =	sadd.s32 $0x100, s23  }
0x6b: {  	[tilespmem:s5], [sflag:$0x6] =	stream.linear.gather [hbm4b:s11+s4], $0x40, $0x38;
	[tilespmem:$0x1C400] =	vst v63  }
0x6c: {  	s9 =	simm.s32 $0x14100;
	s16 =	sadd.s32 $0x200, s20  }
0x6d: {  	[tilespmem:s9], [sflag:$0x3] =	stream.linear.gather [hbm4b:s16+s4], $0x40, $0x38;
	[tilespmem:$0x1C400] =	vst v63  }
0x6e: {  	s3 =	simm.s32 $0x14300;
	s18 =	sadd.s32 $0x200, s23  }
0x6f: {  	[tilespmem:s3], [sflag:$0x7] =	stream.linear.gather [hbm4b:s18+s4], $0x40, $0x38;
	[tilespmem:$0x1C400] =	vst v63  }
0x70: {  	s20 =	sadd.s32 $0x300, s20;
	s11 =	simm.s32 $0x14180  }
0x71: {  	[tilespmem:s11], [sflag:$0x4] =	stream.linear.gather [hbm4b:s20+s4], $0x40, $0x38;
	[tilespmem:$0x1C400] =	vst v63  }
0x72: {  	s28 =	simm.s32 $0x14380;
	s24 =	sadd.s32 $0x300, s23  }
0x73: {  	[tilespmem:s28], [sflag:$0x8] =	stream.linear.gather [hbm4b:s24+s4], $0x40, $0x38;
	[tilespmem:$0x1C400] =	vst v63  }
0x74: {  	_ =	swait.ge [sflag:s25], $0x40  }
0x75: {  	[sflag:s25] =	ssyncset.done $0x0  }
0x76: {  	s2 =	simm.s32 $0x14000;
	s16 =	simm.s32 $0x2;
	[sflag:s25] =	ssyncadd.s32 $0xFFFFFFC0  }
0x77: {  	[tilespmem:s26], [sflag:$0x9] =	stream.indirect.gather [hbm4b:s1+s15], $0x80, s2, s15, $0xb8;
	[tilespmem:$0x1C400] =	vst v63  }
0x78: {  	_ =	swait.ge [sflag:s16], $0x40  }
0x79: {  	[sflag:s16] =	ssyncset.done $0x0  }
0x7a: {  	s7 =	simm.s32 $0x3;
	s10 =	simm.s32 $0x16400;
	[sflag:s16] =	ssyncadd.s32 $0xFFFFFFC0  }
0x7b: {  	[tilespmem:s10], [sflag:$0xA] =	stream.indirect.gather [hbm4b:s1+s15], $0x80, s6, s15, $0xb8;
	[tilespmem:$0x1C400] =	vst v63  }
0x7c: {  	_ =	swait.ge [sflag:s7], $0x40  }
0x7d: {  	[sflag:s7] =	ssyncset.done $0x0  }
0x7e: {  	s8 =	simm.s32 $0x18400;
	[sflag:s7] =	ssyncadd.s32 $0xFFFFFFC0  }
0x7f: {  	[tilespmem:s8], [sflag:$0xB] =	stream.indirect.gather [hbm4b:s1+s15], $0x80, s9, s15, $0xb8;
	[tilespmem:$0x1C400] =	vst v63  }
0x80: {  	s9 =	simm.s32 $0x4  }
0x81: {  	_ =	swait.ge [sflag:s9], $0x40  }
0x82: {  	[sflag:s9] =	ssyncset.done $0x0  }
0x83: {  	s29 =	simm.s32 $0x1A400;
	[sflag:s9] =	ssyncadd.s32 $0xFFFFFFC0  }
0x84: {  	[tilespmem:s29], [sflag:$0xC] =	stream.indirect.gather [hbm4b:s1+s15], $0x80, s11, s15, $0xb8;
	[tilespmem:$0x1C400] =	vst v63  }
0x85: {  	s11 =	simm.s32 $0x9  }
0x86: {  	_ =	swait.ge [sflag:s11], $0x2000  }
0x87: {  	[sflag:s11] =	ssyncset.done $0x0  }
0x88: {  	[sflag:s11] =	ssyncadd.s32 $0xFFFFE000  }
0x89: {  	_ =	swait.ge [sflag:s12], $0x40  }
0x8a: {  	[sflag:s12] =	ssyncset.done $0x0  }
0x8b: {  	s0 =	simm.s32 $0x14200;
	[sflag:s12] =	ssyncadd.s32 $0xFFFFFFC0  }
0x8c: {  	[spmem:s17] =	stream.indirect.scatter.add.f32 [tilespmem:s26], [sflag:$0xD], $0x80, s0, s15, $0xb8;
	[tilespmem:$0x1C400] =	vst v63  }
0x8d: {  	_ =	swait.ge [sflag:s13], $0x2000  }
0x8e: {  	[sflag:s13] =	ssyncset.done $0x0  }
0x8f: {  	[sflag:s13] =	ssyncadd.s32 $0xFFFFE000  }
0x90: {  	_ =	swait.ge [sflag:s14], $0x40  }
0x91: {  	[sflag:s14] =	ssyncset.done $0x0  }
0x92: {  	[sflag:s14] =	ssyncadd.s32 $0xFFFFFFC0  }
0x93: {  	[spmem:s17] =	stream.indirect.scatter.add.f32 [tilespmem:s10], [sflag:$0xE], $0x80, s5, s15, $0xb8;
	[tilespmem:$0x1C400] =	vst v63  }
0x94: {  	_ =	swait.ge [sflag:s19], $0x2000  }
0x95: {  	[sflag:s19] =	ssyncset.done $0x0  }
0x96: {  	s5 =	simm.s32 $0x7;
	[sflag:s19] =	ssyncadd.s32 $0xFFFFE000  }
0x97: {  	_ =	swait.ge [sflag:s5], $0x40  }
0x98: {  	[sflag:s5] =	ssyncset.done $0x0  }
0x99: {  	[sflag:s5] =	ssyncadd.s32 $0xFFFFFFC0  }
0x9a: {  	[spmem:s17] =	stream.indirect.scatter.add.f32 [tilespmem:s8], [sflag:$0xF], $0x80, s3, s15, $0xb8;
	[tilespmem:$0x1C400] =	vst v63  }
0x9b: {  	_ =	swait.ge [sflag:s21], $0x2000  }
0x9c: {  	[sflag:s21] =	ssyncset.done $0x0  }
0x9d: {  	[sflag:s21] =	ssyncadd.s32 $0xFFFFE000  }
0x9e: {  	_ =	swait.ge [sflag:s22], $0x40  }
0x9f: {  	[sflag:s22] =	ssyncset.done $0x0  }
0xa0: {  	s6 =	simm.s32 $0xD;
	[sflag:s22] =	ssyncadd.s32 $0xFFFFFFC0  }
0xa1: {  	[spmem:s17] =	stream.indirect.scatter.add.f32 [tilespmem:s29], [sflag:$0x10], $0x80, s28, s15, $0xb8;
	[tilespmem:$0x1C400] =	vst v63  }
0xa2: {  	_ =	swait.ge [sflag:s6], $0x2000  }
0xa3: {  	[sflag:s6] =	ssyncset.done $0x0  }
0xa4: {  	s31 =	simm.s32 $0xE;
	[sflag:s6] =	ssyncadd.s32 $0xFFFFE000  }
0xa5: {  	_ =	swait.ge [sflag:s31], $0x2000  }
0xa6: {  	[sflag:s31] =	ssyncset.done $0x0  }
0xa7: {  	[sflag:s31] =	ssyncadd.s32 $0xFFFFE000  }
0xa8: {  	_ =	swait.ge [sflag:s30], $0x2000  }
0xa9: {  	[sflag:s30] =	ssyncset.done $0x0  }
0xaa: {  	s23 =	simm.s32 $0x800;
	s10 =	simm.s32 $0x10;
	[sflag:s30] =	ssyncadd.s32 $0xFFFFE000  }
0xab: {  	s20 =	simm.s32 $0x400;
	s2 =	smov.u32 s17;
	_ =	swait.ge [sflag:s10], $0x2000  }
0xac: {  	s3 =	smov.u32 s1;
	s24 =	rddreg [dreg:$0x6];
	[sflag:s10] =	ssyncset.done $0x0  }
.LBB2_4:
0xad: {  	[sflag:s10] =	ssyncadd.s32 $0xFFFFE000  }
0xae: {  	s28 =	rddreg [dreg:$0x5];
	s24 =	sadd.s32 s20, s24;
	s31 =	simm.s32 $0x14000  }
0xaf: {  	[tilespmem:s31], [sflag:$0x1] =	stream.linear.gather [hbm4b:s24+s4], $0x40, $0x38;
	[tilespmem:$0x1C400] =	vst v63  }
0xb0: {  	s0 =	simm.s32 $0x14200;
	s28 =	sadd.s32 s20, s28  }
0xb1: {  	[tilespmem:s0], [sflag:$0x5] =	stream.linear.gather [hbm4b:s28+s4], $0x40, $0x38;
	[tilespmem:$0x1C400] =	vst v63  }
0xb2: {  	s17 =	simm.s32 $0x14080;
	s29 =	sadd.s32 $0x100, s24  }
0xb3: {  	[tilespmem:s17], [sflag:$0x2] =	stream.linear.gather [hbm4b:s29+s4], $0x40, $0x38;
	[tilespmem:$0x1C400] =	vst v63  }
0xb4: {  	s18 =	simm.s32 $0x14280;
	s1 =	sadd.s32 $0x100, s28  }
0xb5: {  	[tilespmem:s18], [sflag:$0x6] =	stream.linear.gather [hbm4b:s1+s4], $0x40, $0x38;
	[tilespmem:$0x1C400] =	vst v63  }
0xb6: {  	s8 =	sadd.s32 $0x200, s24;
	s29 =	simm.s32 $0x14100  }
0xb7: {  	[tilespmem:s29], [sflag:$0x3] =	stream.linear.gather [hbm4b:s8+s4], $0x40, $0x38;
	[tilespmem:$0x1C400] =	vst v63  }
0xb8: {  	s1 =	sadd.s32 $0x200, s28;
	s8 =	simm.s32 $0x14300  }
0xb9: {  	[tilespmem:s8], [sflag:$0x7] =	stream.linear.gather [hbm4b:s1+s4], $0x40, $0x38;
	[tilespmem:$0x1C400] =	vst v63  }
0xba: {  	s24 =	sadd.s32 $0x300, s24;
	s1 =	simm.s32 $0x14180  }
0xbb: {  	[tilespmem:s1], [sflag:$0x4] =	stream.linear.gather [hbm4b:s24+s4], $0x40, $0x38;
	[tilespmem:$0x1C400] =	vst v63  }
0xbc: {  	s24 =	sadd.s32 $0x300, s28;
	s28 =	simm.s32 $0x14380  }
0xbd: {  	[tilespmem:s28], [sflag:$0x8] =	stream.linear.gather [hbm4b:s24+s4], $0x40, $0x38;
	[tilespmem:$0x1C400] =	vst v63  }
0xbe: {  	_ =	swait.ge [sflag:s25], $0x40  }
0xbf: {  	s26 =	smov.u32 s23;
	[sflag:s25] =	ssyncset.done $0x0  }
0xc0: {  	s20 =	smov.u32 s26;
	s26 =	simm.s32 $0x14400;
	[sflag:s25] =	ssyncadd.s32 $0xFFFFFFC0  }
0xc1: {  	[tilespmem:s26], [sflag:$0x9] =	stream.indirect.gather [hbm4b:s3+s15], $0x80, s31, s15, $0xb8;
	[tilespmem:$0x1C400] =	vst v63  }
0xc2: {  	_ =	swait.ge [sflag:s16], $0x40  }
0xc3: {  	[sflag:s16] =	ssyncset.done $0x0  }
0xc4: {  	s31 =	simm.s32 $0x16400;
	[sflag:s16] =	ssyncadd.s32 $0xFFFFFFC0  }
0xc5: {  	[tilespmem:s31], [sflag:$0xA] =	stream.indirect.gather [hbm4b:s3+s15], $0x80, s17, s15, $0xb8;
	[tilespmem:$0x1C400] =	vst v63  }
0xc6: {  	_ =	swait.ge [sflag:s7], $0x40  }
0xc7: {  	[sflag:s7] =	ssyncset.done $0x0  }
0xc8: {  	s24 =	simm.s32 $0x18400;
	[sflag:s7] =	ssyncadd.s32 $0xFFFFFFC0  }
0xc9: {  	[tilespmem:s24], [sflag:$0xB] =	stream.indirect.gather [hbm4b:s3+s15], $0x80, s29, s15, $0xb8;
	[tilespmem:$0x1C400] =	vst v63  }
0xca: {  	_ =	swait.ge [sflag:s9], $0x40  }
0xcb: {  	[sflag:s9] =	ssyncset.done $0x0  }
0xcc: {  	s29 =	simm.s32 $0x1A400;
	[sflag:s9] =	ssyncadd.s32 $0xFFFFFFC0  }
0xcd: {  	[tilespmem:s29], [sflag:$0xC] =	stream.indirect.gather [hbm4b:s3+s15], $0x80, s1, s15, $0xb8;
	[tilespmem:$0x1C400] =	vst v63  }
0xce: {  	_ =	swait.ge [sflag:s11], $0x2000  }
0xcf: {  	[sflag:s11] =	ssyncset.done $0x0  }
0xd0: {  	[sflag:s11] =	ssyncadd.s32 $0xFFFFE000  }
0xd1: {  	_ =	swait.ge [sflag:s12], $0x40  }
0xd2: {  	[sflag:s12] =	ssyncset.done $0x0  }
0xd3: {  	[sflag:s12] =	ssyncadd.s32 $0xFFFFFFC0  }
0xd4: {  	[spmem:s2] =	stream.indirect.scatter.add.f32 [tilespmem:s26], [sflag:$0xD], $0x80, s0, s15, $0xb8;
	[tilespmem:$0x1C400] =	vst v63  }
0xd5: {  	_ =	swait.ge [sflag:s13], $0x2000  }
0xd6: {  	[sflag:s13] =	ssyncset.done $0x0  }
0xd7: {  	[sflag:s13] =	ssyncadd.s32 $0xFFFFE000  }
0xd8: {  	_ =	swait.ge [sflag:s14], $0x40  }
0xd9: {  	[sflag:s14] =	ssyncset.done $0x0  }
0xda: {  	[sflag:s14] =	ssyncadd.s32 $0xFFFFFFC0  }
0xdb: {  	[spmem:s2] =	stream.indirect.scatter.add.f32 [tilespmem:s31], [sflag:$0xE], $0x80, s18, s15, $0xb8;
	[tilespmem:$0x1C400] =	vst v63  }
0xdc: {  	_ =	swait.ge [sflag:s19], $0x2000  }
0xdd: {  	[sflag:s19] =	ssyncset.done $0x0  }
0xde: {  	[sflag:s19] =	ssyncadd.s32 $0xFFFFE000  }
0xdf: {  	_ =	swait.ge [sflag:s5], $0x40  }
0xe0: {  	[sflag:s5] =	ssyncset.done $0x0  }
0xe1: {  	[sflag:s5] =	ssyncadd.s32 $0xFFFFFFC0  }
0xe2: {  	[spmem:s2] =	stream.indirect.scatter.add.f32 [tilespmem:s24], [sflag:$0xF], $0x80, s8, s15, $0xb8;
	[tilespmem:$0x1C400] =	vst v63  }
0xe3: {  	_ =	swait.ge [sflag:s21], $0x2000  }
0xe4: {  	[sflag:s21] =	ssyncset.done $0x0  }
0xe5: {  	[sflag:s21] =	ssyncadd.s32 $0xFFFFE000  }
0xe6: {  	_ =	swait.ge [sflag:s22], $0x40  }
0xe7: {  	[sflag:s22] =	ssyncset.done $0x0  }
0xe8: {  	[sflag:s22] =	ssyncadd.s32 $0xFFFFFFC0  }
0xe9: {  	[spmem:s2] =	stream.indirect.scatter.add.f32 [tilespmem:s29], [sflag:$0x10], $0x80, s28, s15, $0xb8;
	[tilespmem:$0x1C400] =	vst v63  }
0xea: {  	_ =	swait.ge [sflag:s6], $0x2000  }
0xeb: {  	[sflag:s6] =	ssyncset.done $0x0  }
0xec: {  	s31 =	simm.s32 $0xE;
	[sflag:s6] =	ssyncadd.s32 $0xFFFFE000  }
0xed: {  	_ =	swait.ge [sflag:s31], $0x2000  }
0xee: {  	[sflag:s31] =	ssyncset.done $0x0  }
0xef: {  	p2 =	sne.s32 s23, $0x9800;
	[sflag:s31] =	ssyncadd.s32 $0xFFFFE000  }
.Ltmp3:
0xf0: {  	_ =	swait.ge [sflag:s30], $0x2000;
	(pc) =	sbr.rel @p2 .LBB2_4-.Ltmp3, $4  }
0xf1: {  	[sflag:s30] =	ssyncset.done $0x0  }
0xf2: {  	[sflag:s30] =	ssyncadd.s32 $0xFFFFE000  }
0xf3: {  	_ =	swait.ge [sflag:s10], $0x2000  }
0xf4: {  	s23 =	sadd.s32 $0x400, s23;
	s24 =	rddreg [dreg:$0x6];
	[sflag:s10] =	ssyncset.done $0x0  }
0xf5: {  	s23 =	rddreg [dreg:$0x5]  }
0xf6: {  	[sflag:s10] =	ssyncadd.s32 $0xFFFFE000;
	s24 =	sadd.s32 s20, s24;
	s17 =	simm.s32 $0x14000  }
0xf7: {  	[tilespmem:s17], [sflag:$0x1] =	stream.linear.gather [hbm4b:s24+s4], $0x40, $0x38;
	[tilespmem:$0x1C400] =	vst v63  }
0xf8: {  	s0 =	simm.s32 $0x14200;
	s20 =	sadd.s32 s20, s23  }
0xf9: {  	[tilespmem:s0], [sflag:$0x5] =	stream.linear.gather [hbm4b:s20+s4], $0x40, $0x38;
	[tilespmem:$0x1C400] =	vst v63  }
0xfa: {  	s31 =	simm.s32 $0x14080;
	s18 =	sadd.s32 $0x100, s24  }
0xfb: {  	[tilespmem:s31], [sflag:$0x2] =	stream.linear.gather [hbm4b:s18+s4], $0x40, $0x38;
	[tilespmem:$0x1C400] =	vst v63  }
0xfc: {  	s1 =	sadd.s32 $0x100, s20;
	s18 =	simm.s32 $0x14280  }
0xfd: {  	[tilespmem:s18], [sflag:$0x6] =	stream.linear.gather [hbm4b:s1+s4], $0x40, $0x38;
	[tilespmem:$0x1C400] =	vst v63  }
0xfe: {  	s29 =	simm.s32 $0x14100;
	s8 =	sadd.s32 $0x200, s24  }
0xff: {  	[tilespmem:s29], [sflag:$0x3] =	stream.linear.gather [hbm4b:s8+s4], $0x40, $0x38;
	[tilespmem:$0x1C400] =	vst v63  }
0x100: {  	s1 =	sadd.s32 $0x200, s20;
	s8 =	simm.s32 $0x14300  }
0x101: {  	[tilespmem:s8], [sflag:$0x7] =	stream.linear.gather [hbm4b:s1+s4], $0x40, $0x38;
	[tilespmem:$0x1C400] =	vst v63  }
0x102: {  	s24 =	sadd.s32 $0x300, s24;
	s1 =	simm.s32 $0x14180  }
0x103: {  	[tilespmem:s1], [sflag:$0x4] =	stream.linear.gather [hbm4b:s24+s4], $0x40, $0x38;
	[tilespmem:$0x1C400] =	vst v63  }
0x104: {  	s20 =	sadd.s32 $0x300, s20  }
0x105: {  	[tilespmem:s28], [sflag:$0x8] =	stream.linear.gather [hbm4b:s20+s4], $0x40, $0x38;
	[tilespmem:$0x1C400] =	vst v63  }
0x106: {  	_ =	swait.ge [sflag:s25], $0x40  }
0x107: {  	[sflag:s25] =	ssyncset.done $0x0  }
0x108: {  	[sflag:s25] =	ssyncadd.s32 $0xFFFFFFC0  }
0x109: {  	[tilespmem:s26], [sflag:$0x9] =	stream.indirect.gather [hbm4b:s3+s15], $0x80, s17, s15, $0xb8;
	[tilespmem:$0x1C400] =	vst v63  }
0x10a: {  	_ =	swait.ge [sflag:s16], $0x40  }
0x10b: {  	[sflag:s16] =	ssyncset.done $0x0  }
0x10c: {  	s20 =	simm.s32 $0x16400;
	[sflag:s16] =	ssyncadd.s32 $0xFFFFFFC0  }
0x10d: {  	[tilespmem:s20], [sflag:$0xA] =	stream.indirect.gather [hbm4b:s3+s15], $0x80, s31, s15, $0xb8;
	[tilespmem:$0x1C400] =	vst v63  }
0x10e: {  	_ =	swait.ge [sflag:s7], $0x40  }
0x10f: {  	[sflag:s7] =	ssyncset.done $0x0  }
0x110: {  	s23 =	simm.s32 $0x18400;
	[sflag:s7] =	ssyncadd.s32 $0xFFFFFFC0  }
0x111: {  	[tilespmem:s23], [sflag:$0xB] =	stream.indirect.gather [hbm4b:s3+s15], $0x80, s29, s15, $0xb8;
	[tilespmem:$0x1C400] =	vst v63  }
0x112: {  	_ =	swait.ge [sflag:s9], $0x40  }
0x113: {  	[sflag:s9] =	ssyncset.done $0x0  }
0x114: {  	s24 =	simm.s32 $0x1A400;
	[sflag:s9] =	ssyncadd.s32 $0xFFFFFFC0  }
0x115: {  	[tilespmem:s24], [sflag:$0xC] =	stream.indirect.gather [hbm4b:s3+s15], $0x80, s1, s15, $0xb8;
	[tilespmem:$0x1C400] =	vst v63  }
0x116: {  	_ =	swait.ge [sflag:s11], $0x2000  }
0x117: {  	[sflag:s11] =	ssyncset.done $0x0  }
0x118: {  	[sflag:s11] =	ssyncadd.s32 $0xFFFFE000  }
0x119: {  	_ =	swait.ge [sflag:s12], $0x40  }
0x11a: {  	[sflag:s12] =	ssyncset.done $0x0  }
0x11b: {  	[sflag:s12] =	ssyncadd.s32 $0xFFFFFFC0  }
0x11c: {  	[spmem:s2] =	stream.indirect.scatter.add.f32 [tilespmem:s26], [sflag:$0xD], $0x80, s0, s15, $0xb8;
	[tilespmem:$0x1C400] =	vst v63  }
0x11d: {  	_ =	swait.ge [sflag:s13], $0x2000  }
0x11e: {  	[sflag:s13] =	ssyncset.done $0x0  }
0x11f: {  	[sflag:s13] =	ssyncadd.s32 $0xFFFFE000  }
0x120: {  	_ =	swait.ge [sflag:s14], $0x40  }
0x121: {  	[sflag:s14] =	ssyncset.done $0x0  }
0x122: {  	[sflag:s14] =	ssyncadd.s32 $0xFFFFFFC0  }
0x123: {  	[spmem:s2] =	stream.indirect.scatter.add.f32 [tilespmem:s20], [sflag:$0xE], $0x80, s18, s15, $0xb8;
	[tilespmem:$0x1C400] =	vst v63  }
0x124: {  	_ =	swait.ge [sflag:s19], $0x2000  }
0x125: {  	[sflag:s19] =	ssyncset.done $0x0  }
0x126: {  	[sflag:s19] =	ssyncadd.s32 $0xFFFFE000  }
0x127: {  	_ =	swait.ge [sflag:s5], $0x40  }
0x128: {  	[sflag:s5] =	ssyncset.done $0x0  }
0x129: {  	[sflag:s5] =	ssyncadd.s32 $0xFFFFFFC0  }
0x12a: {  	[spmem:s2] =	stream.indirect.scatter.add.f32 [tilespmem:s23], [sflag:$0xF], $0x80, s8, s15, $0xb8;
	[tilespmem:$0x1C400] =	vst v63  }
0x12b: {  	_ =	swait.ge [sflag:s21], $0x2000  }
0x12c: {  	[sflag:s21] =	ssyncset.done $0x0  }
0x12d: {  	[sflag:s21] =	ssyncadd.s32 $0xFFFFE000  }
0x12e: {  	_ =	swait.ge [sflag:s22], $0x40  }
0x12f: {  	[sflag:s22] =	ssyncset.done $0x0  }
0x130: {  	[sflag:s22] =	ssyncadd.s32 $0xFFFFFFC0  }
0x131: {  	[spmem:s2] =	stream.indirect.scatter.add.f32 [tilespmem:s24], [sflag:$0x10], $0x80, s28, s15, $0xb8;
	[tilespmem:$0x1C400] =	vst v63  }
0x132: {  	_ =	swait.ge [sflag:s6], $0x2000  }
0x133: {  	[sflag:s6] =	ssyncset.done $0x0  }
0x134: {  	s31 =	simm.s32 $0xE;
	[sflag:s6] =	ssyncadd.s32 $0xFFFFE000  }
0x135: {  	_ =	swait.ge [sflag:s31], $0x2000  }
0x136: {  	[sflag:s31] =	ssyncset.done $0x0  }
0x137: {  	[sflag:s31] =	ssyncadd.s32 $0xFFFFE000  }
0x138: {  	_ =	swait.ge [sflag:s30], $0x2000  }
.Ltmp4:
0x139: {  	[sflag:s30] =	ssyncset.done $0x0;
	(pc) =	sbr.rel @p0 .LBB2_7-.Ltmp4, $4  }
0x13a: {  	[sflag:s30] =	ssyncadd.s32 $0xFFFFE000  }
0x13b: {  	_ =	swait.ge [sflag:s10], $0x2000  }
0x13c: {  	s17 =	smov.u32 s2;
	s29 =	simm.s32 $0x14200;
	[sflag:s10] =	ssyncset.done $0x0  }
0x13d: {  	s0 =	simm.s32 $0x9;
	s24 =	simm.s32 $0x14000;
	[sflag:s10] =	ssyncadd.s32 $0xFFFFE000  }
0x13e: {  	s20 =	rddreg [dreg:$0x12];
	s28 =	simm.s32 $0x11  }
0x13f: {  	[tilespmem:s24], [sflag:$0x11] =	stream.linear.gather [hbm4b:s20+s4], $0x40, $0x38;
	[tilespmem:$0x1C400] =	vst v63  }
0x140: {  	_ =	swait.ge [sflag:s28], $0x40  }
0x141: {  	[sflag:s28] =	ssyncset.done $0x0  }
0x142: {  	s31 =	rddreg [dreg:$0x13];
	[sflag:s28] =	ssyncadd.s32 $0xFFFFFFC0  }
0x143: {  	[tilespmem:s29], [sflag:$0x11] =	stream.linear.gather [hbm4b:s31+s4], $0x40, $0x38;
	[tilespmem:$0x1C400] =	vst v63  }
0x144: {  	_ =	swait.ge [sflag:s28], $0x40  }
0x145: {  	[sflag:s28] =	ssyncset.done $0x0  }
0x146: {  	[sflag:s28] =	ssyncadd.s32 $0xFFFFFFC0  }
0x147: {  	[tilespmem:s26], [sflag:$0x9] =	stream.indirect.gather [hbm4b:s3+s15], $0x80, s24, s15, $0xb8;
	[tilespmem:$0x1C400] =	vst v63  }
0x148: {  	_ =	swait.ge [sflag:s0], $0x2000  }
0x149: {  	[sflag:s0] =	ssyncset.done $0x0  }
0x14a: {  	[sflag:s0] =	ssyncadd.s32 $0xFFFFE000  }
0x14b: {  	[spmem:s17] =	stream.indirect.scatter.add.f32 [tilespmem:s26], [sflag:$0x11], $0x80, s29, s15, $0xb8;
	[tilespmem:$0x1C400] =	vst v63  }
.Ltmp5:
0x14c: {  	_ =	swait.ge [sflag:s28], $0x2000;
	(pc) =	sbr.rel .LBB2_8-.Ltmp5, $4  }
0x14d: {  	[sflag:s28] =	ssyncset.done $0x0  }
0x14e: {  	[sflag:s28] =	ssyncadd.s32 $0xFFFFE000  }
0x14f: {  	[bflag:$0x0] =	sbarrier.arrive $0xFFFF  }
0x150: {  	s1 =	smov.u32 s3  }
.LBB2_7:
.Ltmp6:
0x151: {  	(pc) =	sbr.rel @p1 .LBB2_9-.Ltmp6, $3  }
0x152: {  	_ =	sdelay $0x1  }
0x153: {  	[bflag:$0x0] =	sbarrier.arrive $0xFFFF  }
0x154: {  	s28 =	simm.s32 $0x11;
	s1 =	smov.u32 s3  }
.LBB2_8:
0x155: {  	s20 =	stileid.u32;
	s23 =	rddreg [dreg:$0x7]  }
0x156: {  	s24 =	rddreg [dreg:$0x14];
	s20 =	sshll.u32 s20, $0x6  }
.Ltmp7:
0x157: {  	s23 =	sshrl.u32 s23, $0x3;
	s20 =	sor.u32 $0x1C11, s20;
	(pc) =	sbr.rel .LBB2_10-.Ltmp7, $4  }
0x158: {  	[hbm:s24], [sflag:s20] =	dma.local [spmem:s23], $0x2800  }
0x159: {  	_ =	swait.ge [sflag:s28], $0x2800  }
0x15a: {  	[sflag:s28] =	ssyncset.done $0x0  }
0x15b: {  	s24 =	simm.s32 $0x14000;
	s0 =	rddreg [dreg:$0x17];
	[sflag:s28] =	ssyncadd.s32 $0xFFFFD800  }
.LBB2_11:
0x15c: {  	_ =	sfence.sel $0x180000  }
0x15d: {  	[bflag:$0x0] =	sbarrier.arrive $0xFFFF  }
0x15e: {  	_ =	strace $0x90000047  }
0x15f: {  	s0 =	stileid.u32;
	[bflag:$0x2] =	sbarrier.arrive $0xFFFF  }
0x160: {  	p0 =	sne.s32 s0, $0x0;
	s0 =	rddreg [dreg:$0x4]  }
0x161: {  	s0 =	sadd.s32 @!p0 $0x100000, s0  }
0x162: {  	[sflag:s0] =	ssyncadd.tile.s32 @!p0 $0x1;
	_ =	shalt  }
.Lfunc_end2:
_tile_overlayer_lowered:
.L_overlay_start_2:
0x163: {  	(tag) =	ssettag $0x2  }
0x164: {  	s0 =	rddreg [dreg:$0x0];
	s2 =	stileid.u32  }
0x165: {  	s1 =	rddreg [dreg:$0x1];
	p0 =	sne.s32 s2, $0x0  }
0x166: {  	s3 =	rddreg [dreg:$0x2];
	[bflag:$0x3] =	sbarrier.arrive $0xFFFF;
	s2 =	simm.s32 @!p0 $0x1C11  }
0x167: {  	[timem:s3], [sflag:s2] =	dma.local @!p0 [hbm:s0], s1  }
0x168: {  	s0 =	simm.s32 @!p0 $0x11  }
0x169: {  	_ =	swait.ge @!p0 [sflag:s0], s1  }
0x16a: {  	s1 =	ssub.s32 @!p0 $0x0, s1;
	[sflag:s0] =	ssyncset.done @!p0 $0x0  }
0x16b: {  	[sflag:s0] =	ssyncadd.s32 @!p0 s1  }
0x16c: {  	[bflag:$0x3] =	sbarrier.arrive $0xFFFF  }
0x16d: {  	_ =	shalt  }

</sc_bundles>
